<compile_context>
chip_gen: v7x
topology: tpu7x:2x2x1
jax: 0.10.2.dev20260603
libtpu: 0.0.44.dev20260713+nightly
codegen_flags: <defaults>
</compile_context>

<pallas_src>
import functools

import jax
import jax.numpy as jnp
from jax import lax
from jax.experimental import pallas as pl
from jax.experimental.pallas import tpu as pltpu
from jax.experimental.pallas import tpu_sc as plsc

N_NODES = 10000
N_EDGES = 320000
D = 128

NC = 2
NS = 16
NW = NC * NS
EPT = N_EDGES // NW
CH = 128
NFULL = EPT // CH
TAIL = EPT - NFULL * CH
STRIPE = 624
STRIPE_LAST = 640


def _sc_agg_body(x_hbm, src_hbm, dst_hbm, zeros_hbm, out_hbm,
                 src0, src1, dst0, dst1, rows0, rows1,
                 src_t, dst_t, rows_t, acc,
                 sem_i0, sem_i1, sem_g0, sem_g1):
    c = lax.axis_index("c")
    s = lax.axis_index("s")
    wid = s * NC + c
    ebase = pl.multiple_of(wid * EPT, 8)

    src_b = (src0, src1)
    dst_b = (dst0, dst1)
    rows_b = (rows0, rows1)
    sem_i = (sem_i0, sem_i1)
    sem_g = (sem_g0, sem_g1)

    def start_idx(j, b):
        off = pl.multiple_of(ebase + j * CH, 8)
        pltpu.async_copy(src_hbm.at[pl.ds(off, CH)], src_b[b], sem_i[b])
        pltpu.async_copy(dst_hbm.at[pl.ds(off, CH)], dst_b[b], sem_i[b])

    def wait_idx(b):
        pltpu.make_async_copy(src_hbm.at[pl.ds(0, CH)], src_b[b], sem_i[b]).wait()
        pltpu.make_async_copy(dst_hbm.at[pl.ds(0, CH)], dst_b[b], sem_i[b]).wait()

    def start_gather(b):
        pltpu.async_copy(x_hbm.at[src_b[b]], rows_b[b], sem_g[b])

    def wait_gather(b):
        pltpu.make_async_copy(x_hbm.at[src_b[b]], rows_b[b], sem_g[b]).wait()

    start_idx(0, 0)
    start_idx(1, 1)

    row0 = pl.multiple_of(s * STRIPE, 8)

    @pl.when(s < NS - 1)
    def _zero_main():
        pltpu.sync_copy(zeros_hbm.at[pl.ds(row0, STRIPE)],
                        acc.at[pl.ds(row0, STRIPE)])

    @pl.when(s == NS - 1)
    def _zero_last():
        pltpu.sync_copy(zeros_hbm.at[pl.ds((NS - 1) * STRIPE, STRIPE_LAST)],
                        acc.at[pl.ds((NS - 1) * STRIPE, STRIPE_LAST)])

    plsc.subcore_barrier()

    wait_idx(0)
    start_gather(0)

    @pl.loop(0, NFULL, step=2)
    def _pair(p):
        for b in (0, 1):
            j = p + b
            b1 = 1 - b
            wait_gather(b)

            @pl.when(j + 1 < NFULL)
            def _next_gather():
                wait_idx(b1)
                start_gather(b1)

            pltpu.sync_copy(rows_b[b], acc.at[dst_b[b]], add=True)

            @pl.when(j + 2 < NFULL)
            def _prefetch_idx():
                start_idx(j + 2, b)

    toff = pl.multiple_of(ebase + NFULL * CH, 8)
    pltpu.sync_copy(src_hbm.at[pl.ds(toff, TAIL)], src_t)
    pltpu.sync_copy(dst_hbm.at[pl.ds(toff, TAIL)], dst_t)
    pltpu.sync_copy(x_hbm.at[src_t], rows_t)
    pltpu.sync_copy(rows_t, acc.at[dst_t], add=True)

    plsc.subcore_barrier()

    @pl.when(s < NS - 1)
    def _pub_main():
        pltpu.sync_copy(acc.at[pl.ds(row0, STRIPE)],
                        out_hbm.at[c, pl.ds(row0, STRIPE)])

    @pl.when(s == NS - 1)
    def _pub_last():
        pltpu.sync_copy(acc.at[pl.ds((NS - 1) * STRIPE, STRIPE_LAST)],
                        out_hbm.at[c, pl.ds((NS - 1) * STRIPE, STRIPE_LAST)])


_sc_agg = pl.kernel(
    _sc_agg_body,
    out_type=jax.ShapeDtypeStruct((NC, N_NODES, D), jnp.float32),
    mesh=plsc.VectorSubcoreMesh(core_axis_name="c", subcore_axis_name="s"),
    scratch_types=[
        pltpu.VMEM((CH,), jnp.int32),
        pltpu.VMEM((CH,), jnp.int32),
        pltpu.VMEM((CH,), jnp.int32),
        pltpu.VMEM((CH,), jnp.int32),
        pltpu.VMEM((CH, D), jnp.float32),
        pltpu.VMEM((CH, D), jnp.float32),
        pltpu.VMEM((TAIL,), jnp.int32),
        pltpu.VMEM((TAIL,), jnp.int32),
        pltpu.VMEM((TAIL, D), jnp.float32),
        pltpu.VMEM_SHARED((N_NODES, D), jnp.float32),
        pltpu.SemaphoreType.DMA,
        pltpu.SemaphoreType.DMA,
        pltpu.SemaphoreType.DMA,
        pltpu.SemaphoreType.DMA,
    ],
)


def _mlp_body(x_ref, a_ref, w1_ref, b1_ref, w2_ref, b2_ref, o_ref):
    h = x_ref[...] + a_ref[0] + a_ref[1]
    t = jnp.dot(h, w1_ref[...], preferred_element_type=jnp.float32)
    t = jnp.maximum(t + b1_ref[...], 0.0)
    o = jnp.dot(t, w2_ref[...], preferred_element_type=jnp.float32)
    o_ref[...] = o + b2_ref[...]


BR = 1000


def _tc_mlp(x, agg, W1, b1, W2, b2):
    grid = (N_NODES // BR,)
    return pl.pallas_call(
        _mlp_body,
        grid=grid,
        in_specs=[
            pl.BlockSpec((BR, D), lambda i: (i, 0)),
            pl.BlockSpec((NC, BR, D), lambda i: (0, i, 0)),
            pl.BlockSpec((D, D), lambda i: (0, 0)),
            pl.BlockSpec((1, D), lambda i: (0, 0)),
            pl.BlockSpec((D, D), lambda i: (0, 0)),
            pl.BlockSpec((1, D), lambda i: (0, 0)),
        ],
        out_specs=pl.BlockSpec((BR, D), lambda i: (i, 0)),
        out_shape=jax.ShapeDtypeStruct((N_NODES, D), jnp.float32),
    )(x, agg, W1, b1.reshape(1, D), W2, b2.reshape(1, D))


def kernel(x, edge_index, W1a, b1a, W2a, b2a, W1b, b1b, W2b, b2b):
    src = edge_index[0].astype(jnp.int32)
    dst = edge_index[1].astype(jnp.int32)
    zeros = jnp.zeros((N_NODES, D), jnp.float32)

    agg = _sc_agg(x, src, dst, zeros)
    h1 = _tc_mlp(x, agg, W1a, b1a, W2a, b2a)
    agg2 = _sc_agg(h1, src, dst, zeros)
    return _tc_mlp(h1, agg2, W1b, b1b, W2b, b2b)

# --- scband reference (transcript-rebuilt; emitter-appended) ---
"""Pipeline reference for scband-permut-equiv-mp-81767587381702 (READ-ONLY COPY).

The authoritative reference and input builder live on the scoring server;
editing this copy changes nothing except your own understanding.
"""

import jax, jax.numpy as jnp
import numpy as np

N_NODES = 10000
N_EDGES = 320000
D = 128
H = 128


def _gin_layer(x, src, dst, W1, b1, W2, b2):
    # GINConv with eps=0 (default, train_eps=False):
    #   out = nn((1+eps)*x + sum_{j in N(i)} x_j)
    msgs = jnp.take(x, src, axis=0)
    agg = jax.ops.segment_sum(msgs, dst, num_segments=x.shape[0])
    h = x + agg
    # local_nn = LinearBlock(in,hid) [Linear -> Identity bn -> Identity dropout -> ReLU] -> Linear(hid,out)
    h = jnp.maximum(h @ W1 + b1, 0.0)
    h = h @ W2 + b2
    return h


def setup_inputs(seed: int = 0) -> dict:
    key = jax.random.key(seed)
    ks = jax.random.split(key, 10)
    x = jax.random.normal(ks[0], (N_NODES, D), dtype=jnp.float32)
    edge_index = jax.random.randint(ks[1], (2, N_EDGES), 0, N_NODES, dtype=jnp.int64)
    # layer 0 params: Linear(D,H), Linear(H,H)
    W1a = jax.random.normal(ks[2], (D, H), dtype=jnp.float32) * (1.0 / np.sqrt(D))
    b1a = jnp.zeros((H,), dtype=jnp.float32)
    W2a = jax.random.normal(ks[3], (H, H), dtype=jnp.float32) * (1.0 / np.sqrt(H))
    b2a = jnp.zeros((H,), dtype=jnp.float32)
    # layer 1 params: Linear(H,H), Linear(H,H)
    W1b = jax.random.normal(ks[4], (H, H), dtype=jnp.float32) * (1.0 / np.sqrt(H))
    b1b = jnp.zeros((H,), dtype=jnp.float32)
    W2b = jax.random.normal(ks[5], (H, H), dtype=jnp.float32) * (1.0 / np.sqrt(H))
    b2b = jnp.zeros((H,), dtype=jnp.float32)
    return {"x": x, "edge_index": edge_index,
            "W1a": W1a, "b1a": b1a, "W2a": W2a, "b2a": b2a,
            "W1b": W1b, "b1b": b1b, "W2b": W2b, "b2b": b2b}


def reference(x, edge_index, W1a, b1a, W2a, b2a, W1b, b1b, W2b, b2b):
    src = edge_index[0]
    dst = edge_index[1]
    h = _gin_layer(x, src, dst, W1a, b1a, W2a, b2a)
    h = _gin_layer(h, src, dst, W1b, b1b, W2b, b2b)
    return h

if __name__ == "__main__":
    import jax
    _d = setup_inputs()
    print(jax.jit(kernel)(*tuple(_d.values())))

</pallas_src>

<mosaic_0001>
#map = affine_map<(d0, d1) -> (0, 0)>
#map1 = affine_map<(d0, d1) -> (0)>
#map2 = affine_map<(d0, d1) -> (0, 0, 0)>
module attributes {stable_mosaic.version = 14 : i64} {
  func.func @_sc_agg_body(%arg0: i32, %arg1: i32, %arg2: memref<10000x128xf32, #tpu.memory_space<hbm>>, %arg3: memref<320000xi32, #tpu.memory_space<hbm>>, %arg4: memref<320000xi32, #tpu.memory_space<hbm>>, %arg5: memref<10000x128xf32, #tpu.memory_space<hbm>>, %arg6: memref<2x10000x128xf32, #tpu.memory_space<hbm>>, %arg7: memref<128xi32, #tpu.memory_space<vmem>>, %arg8: memref<128xi32, #tpu.memory_space<vmem>>, %arg9: memref<128xi32, #tpu.memory_space<vmem>>, %arg10: memref<128xi32, #tpu.memory_space<vmem>>, %arg11: memref<128x128xf32, #tpu.memory_space<vmem>>, %arg12: memref<128x128xf32, #tpu.memory_space<vmem>>, %arg13: memref<16xi32, #tpu.memory_space<vmem>>, %arg14: memref<16xi32, #tpu.memory_space<vmem>>, %arg15: memref<16x128xf32, #tpu.memory_space<vmem>>, %arg16: memref<10000x128xf32, #tpu.memory_space<vmem_shared>>, %arg17: memref<!tpu.dma_semaphore, #tpu.memory_space<semaphore_mem>>, %arg18: memref<!tpu.dma_semaphore, #tpu.memory_space<semaphore_mem>>, %arg19: memref<!tpu.dma_semaphore, #tpu.memory_space<semaphore_mem>>, %arg20: memref<!tpu.dma_semaphore, #tpu.memory_space<semaphore_mem>>) attributes {dimension_semantics = [#tpu.dimension_semantics<core_parallel>, #tpu.dimension_semantics<subcore_parallel>], iteration_bounds = array<i64: 2, 16>, scalar_prefetch = 0 : i64, scratch_operands = 14 : i64, tpu.core_type = #tpu.core_type<sc_vector_subcore>, window_params = [{transform_indices = #map}, {transform_indices = #map1}, {transform_indices = #map1}, {transform_indices = #map}, {transform_indices = #map2}]} {
    %mul3A = arith.constant 2 : i32
    %mul3A_0 = arith.muli %arg1, %mul3A : i32
    %add3A = arith.addi %mul3A_0, %arg0 : i32
    %mul3A_1 = arith.constant 10000 : i32
    %mul3A_2 = arith.muli %add3A, %mul3A_1 : i32
    %multiple_of3A = tpu.assume_multiple %mul3A_2, 8 : i32
    %add3A_3 = arith.constant 0 : i32
    %add3A_4 = arith.addi %multiple_of3A, %add3A_3 : i32
    %multiple_of3A_5 = tpu.assume_multiple %add3A_4, 8 : i32
    %dma_start3A = tpu.memref_slice %arg3[%multiple_of3A_5] : memref<320000xi32, #tpu.memory_space<hbm>> -> memref<128xi32, #tpu.memory_space<hbm>>
    %dma_start3A_6 = tpu.memref_slice %arg3[%multiple_of3A_5] : memref<320000xi32, #tpu.memory_space<hbm>> -> memref<128xi32, #tpu.memory_space<hbm>>
    tpu.enqueue_dma source(%dma_start3A_6 : memref<128xi32, #tpu.memory_space<hbm>>) target(%arg7 : memref<128xi32, #tpu.memory_space<vmem>>) target_semaphore(%arg17 : memref<!tpu.dma_semaphore, #tpu.memory_space<semaphore_mem>>)
    %dma_start3A_7 = tpu.memref_slice %arg4[%multiple_of3A_5] : memref<320000xi32, #tpu.memory_space<hbm>> -> memref<128xi32, #tpu.memory_space<hbm>>
    %dma_start3A_8 = tpu.memref_slice %arg4[%multiple_of3A_5] : memref<320000xi32, #tpu.memory_space<hbm>> -> memref<128xi32, #tpu.memory_space<hbm>>
    tpu.enqueue_dma source(%dma_start3A_8 : memref<128xi32, #tpu.memory_space<hbm>>) target(%arg9 : memref<128xi32, #tpu.memory_space<vmem>>) target_semaphore(%arg17 : memref<!tpu.dma_semaphore, #tpu.memory_space<semaphore_mem>>)
    %add3A_9 = arith.constant 128 : i32
    %add3A_10 = arith.addi %multiple_of3A, %add3A_9 : i32
    %multiple_of3A_11 = tpu.assume_multiple %add3A_10, 8 : i32
    %dma_start3A_12 = tpu.memref_slice %arg3[%multiple_of3A_11] : memref<320000xi32, #tpu.memory_space<hbm>> -> memref<128xi32, #tpu.memory_space<hbm>>
    %dma_start3A_13 = tpu.memref_slice %arg3[%multiple_of3A_11] : memref<320000xi32, #tpu.memory_space<hbm>> -> memref<128xi32, #tpu.memory_space<hbm>>
    tpu.enqueue_dma source(%dma_start3A_13 : memref<128xi32, #tpu.memory_space<hbm>>) target(%arg8 : memref<128xi32, #tpu.memory_space<vmem>>) target_semaphore(%arg18 : memref<!tpu.dma_semaphore, #tpu.memory_space<semaphore_mem>>)
    %dma_start3A_14 = tpu.memref_slice %arg4[%multiple_of3A_11] : memref<320000xi32, #tpu.memory_space<hbm>> -> memref<128xi32, #tpu.memory_space<hbm>>
    %dma_start3A_15 = tpu.memref_slice %arg4[%multiple_of3A_11] : memref<320000xi32, #tpu.memory_space<hbm>> -> memref<128xi32, #tpu.memory_space<hbm>>
    tpu.enqueue_dma source(%dma_start3A_15 : memref<128xi32, #tpu.memory_space<hbm>>) target(%arg10 : memref<128xi32, #tpu.memory_space<vmem>>) target_semaphore(%arg18 : memref<!tpu.dma_semaphore, #tpu.memory_space<semaphore_mem>>)
    %mul3A_16 = arith.constant 624 : i32
    %mul3A_17 = arith.muli %arg1, %mul3A_16 : i32
    %multiple_of3A_18 = tpu.assume_multiple %mul3A_17, 8 : i32
    %lt3A = arith.constant 15 : i32
    %lt3A_19 = arith.cmpi slt, %arg1, %lt3A : i32
    %convert_element_type3A = arith.extui %lt3A_19 : i1 to i32
    %cond3A = arith.constant 0 : i32
    %cond3A_20 = arith.cmpi ne, %convert_element_type3A, %cond3A : i32
    scf.if %cond3A_20 {
      "tpu.region"() ({
        %run_scoped3A = tpu.sem_alloc : memref<!tpu.dma_semaphore, #tpu.memory_space<semaphore_mem>>
        %dma_start3A_53 = arith.constant 0 : i32
        %dma_start3A_54 = tpu.memref_slice %arg16[%multiple_of3A_18, %dma_start3A_53] : memref<10000x128xf32, #tpu.memory_space<vmem_shared>> -> memref<624x128xf32, #tpu.memory_space<vmem_shared>>
        %dma_start3A_55 = arith.constant 0 : i32
        %dma_start3A_56 = tpu.memref_slice %arg5[%multiple_of3A_18, %dma_start3A_55] : memref<10000x128xf32, #tpu.memory_space<hbm>> -> memref<624x128xf32, #tpu.memory_space<hbm>>
        tpu.enqueue_dma source(%dma_start3A_56 : memref<624x128xf32, #tpu.memory_space<hbm>>) target(%dma_start3A_54 : memref<624x128xf32, #tpu.memory_space<vmem_shared>>) target_semaphore(%run_scoped3A : memref<!tpu.dma_semaphore, #tpu.memory_space<semaphore_mem>>)
        %dma_wait3A_57 = arith.constant 0 : i32
        %dma_wait3A_58 = tpu.memref_slice %arg16[%multiple_of3A_18, %dma_wait3A_57] : memref<10000x128xf32, #tpu.memory_space<vmem_shared>> -> memref<624x128xf32, #tpu.memory_space<vmem_shared>>
        %dma_wait3A_59 = arith.constant 0 : i32
        %dma_wait3A_60 = tpu.memref_slice %arg5[%multiple_of3A_18, %dma_wait3A_59] : memref<10000x128xf32, #tpu.memory_space<hbm>> -> memref<624x128xf32, #tpu.memory_space<hbm>>
        tpu.wait_dma2 semaphore(%run_scoped3A : memref<!tpu.dma_semaphore, #tpu.memory_space<semaphore_mem>>) src(%dma_wait3A_60 : memref<624x128xf32, #tpu.memory_space<hbm>>) dst(%dma_wait3A_58 : memref<624x128xf32, #tpu.memory_space<vmem_shared>>)
        tpu.yield
      }) : () -> ()
    } else {
    }
    %eq3A = arith.constant 15 : i32
    %eq3A_21 = arith.cmpi eq, %arg1, %eq3A : i32
    %convert_element_type3A_22 = arith.extui %eq3A_21 : i1 to i32
    %cond3A_23 = arith.constant 0 : i32
    %cond3A_24 = arith.cmpi ne, %convert_element_type3A_22, %cond3A_23 : i32
    scf.if %cond3A_24 {
      "tpu.region"() ({
        %run_scoped3A = tpu.sem_alloc : memref<!tpu.dma_semaphore, #tpu.memory_space<semaphore_mem>>
        %dma_start3A_53 = arith.constant 9360 : i32
        %dma_start3A_54 = arith.constant 0 : i32
        %dma_start3A_55 = tpu.memref_slice %arg16[%dma_start3A_53, %dma_start3A_54] : memref<10000x128xf32, #tpu.memory_space<vmem_shared>> -> memref<640x128xf32, #tpu.memory_space<vmem_shared>>
        %dma_start3A_56 = arith.constant 9360 : i32
        %dma_start3A_57 = arith.constant 0 : i32
        %dma_start3A_58 = tpu.memref_slice %arg5[%dma_start3A_56, %dma_start3A_57] : memref<10000x128xf32, #tpu.memory_space<hbm>> -> memref<640x128xf32, #tpu.memory_space<hbm>>
        tpu.enqueue_dma source(%dma_start3A_58 : memref<640x128xf32, #tpu.memory_space<hbm>>) target(%dma_start3A_55 : memref<640x128xf32, #tpu.memory_space<vmem_shared>>) target_semaphore(%run_scoped3A : memref<!tpu.dma_semaphore, #tpu.memory_space<semaphore_mem>>)
        %dma_wait3A_59 = arith.constant 9360 : i32
        %dma_wait3A_60 = arith.constant 0 : i32
        %dma_wait3A_61 = tpu.memref_slice %arg16[%dma_wait3A_59, %dma_wait3A_60] : memref<10000x128xf32, #tpu.memory_space<vmem_shared>> -> memref<640x128xf32, #tpu.memory_space<vmem_shared>>
        %dma_wait3A_62 = arith.constant 9360 : i32
        %dma_wait3A_63 = arith.constant 0 : i32
        %dma_wait3A_64 = tpu.memref_slice %arg5[%dma_wait3A_62, %dma_wait3A_63] : memref<10000x128xf32, #tpu.memory_space<hbm>> -> memref<640x128xf32, #tpu.memory_space<hbm>>
        tpu.wait_dma2 semaphore(%run_scoped3A : memref<!tpu.dma_semaphore, #tpu.memory_space<semaphore_mem>>) src(%dma_wait3A_64 : memref<640x128xf32, #tpu.memory_space<hbm>>) dst(%dma_wait3A_61 : memref<640x128xf32, #tpu.memory_space<vmem_shared>>)
        tpu.yield
      }) : () -> ()
    } else {
    }
    %barrier3A = arith.constant 0 : index
    tpu.barrier barrier_id(%barrier3A)
    %dma_wait3A = arith.constant 0 : i32
    %dma_wait3A_25 = tpu.memref_slice %arg3[%dma_wait3A] : memref<320000xi32, #tpu.memory_space<hbm>> -> memref<128xi32, #tpu.memory_space<hbm>>
    %dma_wait3A_26 = arith.constant 0 : i32
    %dma_wait3A_27 = tpu.memref_slice %arg3[%dma_wait3A_26] : memref<320000xi32, #tpu.memory_space<hbm>> -> memref<128xi32, #tpu.memory_space<hbm>>
    tpu.wait_dma2 semaphore(%arg17 : memref<!tpu.dma_semaphore, #tpu.memory_space<semaphore_mem>>) src(%dma_wait3A_27 : memref<128xi32, #tpu.memory_space<hbm>>) dst(%arg7 : memref<128xi32, #tpu.memory_space<vmem>>)
    %dma_wait3A_28 = arith.constant 0 : i32
    %dma_wait3A_29 = tpu.memref_slice %arg4[%dma_wait3A_28] : memref<320000xi32, #tpu.memory_space<hbm>> -> memref<128xi32, #tpu.memory_space<hbm>>
    %dma_wait3A_30 = arith.constant 0 : i32
    %dma_wait3A_31 = tpu.memref_slice %arg4[%dma_wait3A_30] : memref<320000xi32, #tpu.memory_space<hbm>> -> memref<128xi32, #tpu.memory_space<hbm>>
    tpu.wait_dma2 semaphore(%arg17 : memref<!tpu.dma_semaphore, #tpu.memory_space<semaphore_mem>>) src(%dma_wait3A_31 : memref<128xi32, #tpu.memory_space<hbm>>) dst(%arg9 : memref<128xi32, #tpu.memory_space<vmem>>)
    %dma_start3A_32 = arith.constant 0 : i32
    %dma_start3A_33 = arith.constant 0 : i32
    %dma_start3A_34 = tpu.memref_slice %arg2[%dma_start3A_32, %dma_start3A_33] : memref<10000x128xf32, #tpu.memory_space<hbm>> -> memref<10000x128xf32, #tpu.memory_space<hbm>>
    tpu.enqueue_indirect_dma source(%dma_start3A_34 : memref<10000x128xf32, #tpu.memory_space<hbm>>) target(%arg11 : memref<128x128xf32, #tpu.memory_space<vmem>>) offsets(%arg7 : memref<128xi32, #tpu.memory_space<vmem>>) semaphore(%arg19 : memref<!tpu.dma_semaphore, #tpu.memory_space<semaphore_mem>>)
    %scan3A = arith.constant 0 : i32
    %scan3A_35 = arith.constant 39 : i32
    %scan3A_36 = arith.addi %scan3A, %scan3A_35 : i32
    %scan3A_37 = arith.constant 1 : i32
    scf.for %scan3A_53 = %scan3A to %scan3A_36 step %scan3A_37  : i32 {
      %mul3A_54 = arith.constant 2 : i32
      %mul3A_55 = arith.muli %scan3A_53, %mul3A_54 : i32
      %add3A_56 = arith.constant 0 : i32
      %add3A_57 = arith.addi %add3A_56, %mul3A_55 : i32
      %add3A_58 = arith.constant 0 : i32
      %add3A_59 = arith.addi %add3A_57, %add3A_58 : i32
      %dma_wait3A_60 = arith.constant 0 : i32
      %dma_wait3A_61 = arith.constant 0 : i32
      %dma_wait3A_62 = tpu.memref_slice %arg2[%dma_wait3A_60, %dma_wait3A_61] : memref<10000x128xf32, #tpu.memory_space<hbm>> -> memref<10000x128xf32, #tpu.memory_space<hbm>>
      tpu.wait_indirect_dma semaphore(%arg19 : memref<!tpu.dma_semaphore, #tpu.memory_space<semaphore_mem>>) src(%dma_wait3A_62 : memref<10000x128xf32, #tpu.memory_space<hbm>>) dst(%arg11 : memref<128x128xf32, #tpu.memory_space<vmem>>)
      %add3A_63 = arith.constant 1 : i32
      %add3A_64 = arith.addi %add3A_59, %add3A_63 : i32
      %lt3A_65 = arith.constant 78 : i32
      %lt3A_66 = arith.cmpi slt, %add3A_64, %lt3A_65 : i32
      %convert_element_type3A_67 = arith.extui %lt3A_66 : i1 to i32
      %cond3A_68 = arith.constant 0 : i32
      %cond3A_69 = arith.cmpi ne, %convert_element_type3A_67, %cond3A_68 : i32
      scf.if %cond3A_69 {
        %dma_wait3A_96 = arith.constant 0 : i32
        %dma_wait3A_97 = tpu.memref_slice %arg3[%dma_wait3A_96] : memref<320000xi32, #tpu.memory_space<hbm>> -> memref<128xi32, #tpu.memory_space<hbm>>
        %dma_wait3A_98 = arith.constant 0 : i32
        %dma_wait3A_99 = tpu.memref_slice %arg3[%dma_wait3A_98] : memref<320000xi32, #tpu.memory_space<hbm>> -> memref<128xi32, #tpu.memory_space<hbm>>
        tpu.wait_dma2 semaphore(%arg18 : memref<!tpu.dma_semaphore, #tpu.memory_space<semaphore_mem>>) src(%dma_wait3A_99 : memref<128xi32, #tpu.memory_space<hbm>>) dst(%arg8 : memref<128xi32, #tpu.memory_space<vmem>>)
        %dma_wait3A_100 = arith.constant 0 : i32
        %dma_wait3A_101 = tpu.memref_slice %arg4[%dma_wait3A_100] : memref<320000xi32, #tpu.memory_space<hbm>> -> memref<128xi32, #tpu.memory_space<hbm>>
        %dma_wait3A_102 = arith.constant 0 : i32
        %dma_wait3A_103 = tpu.memref_slice %arg4[%dma_wait3A_102] : memref<320000xi32, #tpu.memory_space<hbm>> -> memref<128xi32, #tpu.memory_space<hbm>>
        tpu.wait_dma2 semaphore(%arg18 : memref<!tpu.dma_semaphore, #tpu.memory_space<semaphore_mem>>) src(%dma_wait3A_103 : memref<128xi32, #tpu.memory_space<hbm>>) dst(%arg10 : memref<128xi32, #tpu.memory_space<vmem>>)
        %dma_start3A_104 = arith.constant 0 : i32
        %dma_start3A_105 = arith.constant 0 : i32
        %dma_start3A_106 = tpu.memref_slice %arg2[%dma_start3A_104, %dma_start3A_105] : memref<10000x128xf32, #tpu.memory_space<hbm>> -> memref<10000x128xf32, #tpu.memory_space<hbm>>
        tpu.enqueue_indirect_dma source(%dma_start3A_106 : memref<10000x128xf32, #tpu.memory_space<hbm>>) target(%arg12 : memref<128x128xf32, #tpu.memory_space<vmem>>) offsets(%arg8 : memref<128xi32, #tpu.memory_space<vmem>>) semaphore(%arg20 : memref<!tpu.dma_semaphore, #tpu.memory_space<semaphore_mem>>)
      } else {
      }
      "tpu.region"() ({
        %run_scoped3A = tpu.sem_alloc : memref<!tpu.dma_semaphore, #tpu.memory_space<semaphore_mem>>
        %dma_start3A_96 = arith.constant 0 : i32
        %dma_start3A_97 = arith.constant 0 : i32
        %dma_start3A_98 = tpu.memref_slice %arg16[%dma_start3A_96, %dma_start3A_97] : memref<10000x128xf32, #tpu.memory_space<vmem_shared>> -> memref<10000x128xf32, #tpu.memory_space<vmem_shared>>
        tpu.enqueue_indirect_dma source(%arg11 : memref<128x128xf32, #tpu.memory_space<vmem>>) target(%dma_start3A_98 : memref<10000x128xf32, #tpu.memory_space<vmem_shared>>) offsets(%arg9 : memref<128xi32, #tpu.memory_space<vmem>>) semaphore(%run_scoped3A : memref<!tpu.dma_semaphore, #tpu.memory_space<semaphore_mem>>) {add = true}
        %dma_wait3A_99 = arith.constant 0 : i32
        %dma_wait3A_100 = arith.constant 0 : i32
        %dma_wait3A_101 = tpu.memref_slice %arg16[%dma_wait3A_99, %dma_wait3A_100] : memref<10000x128xf32, #tpu.memory_space<vmem_shared>> -> memref<10000x128xf32, #tpu.memory_space<vmem_shared>>
        tpu.wait_indirect_dma semaphore(%run_scoped3A : memref<!tpu.dma_semaphore, #tpu.memory_space<semaphore_mem>>) src(%arg11 : memref<128x128xf32, #tpu.memory_space<vmem>>) dst(%dma_wait3A_101 : memref<10000x128xf32, #tpu.memory_space<vmem_shared>>)
        tpu.yield
      }) : () -> ()
      %add3A_70 = arith.constant 2 : i32
      %add3A_71 = arith.addi %add3A_59, %add3A_70 : i32
      %lt3A_72 = arith.constant 78 : i32
      %lt3A_73 = arith.cmpi slt, %add3A_71, %lt3A_72 : i32
      %convert_element_type3A_74 = arith.extui %lt3A_73 : i1 to i32
      %cond3A_75 = arith.constant 0 : i32
      %cond3A_76 = arith.cmpi ne, %convert_element_type3A_74, %cond3A_75 : i32
      scf.if %cond3A_76 {
        %add3A_96 = arith.constant 2 : i32
        %add3A_97 = arith.addi %add3A_59, %add3A_96 : i32
        %mul3A_98 = arith.constant 128 : i32
        %mul3A_99 = arith.muli %add3A_97, %mul3A_98 : i32
        %add3A_100 = arith.addi %multiple_of3A, %mul3A_99 : i32
        %multiple_of3A_101 = tpu.assume_multiple %add3A_100, 8 : i32
        %dma_start3A_102 = tpu.memref_slice %arg3[%multiple_of3A_101] : memref<320000xi32, #tpu.memory_space<hbm>> -> memref<128xi32, #tpu.memory_space<hbm>>
        %dma_start3A_103 = tpu.memref_slice %arg3[%multiple_of3A_101] : memref<320000xi32, #tpu.memory_space<hbm>> -> memref<128xi32, #tpu.memory_space<hbm>>
        tpu.enqueue_dma source(%dma_start3A_103 : memref<128xi32, #tpu.memory_space<hbm>>) target(%arg7 : memref<128xi32, #tpu.memory_space<vmem>>) target_semaphore(%arg17 : memref<!tpu.dma_semaphore, #tpu.memory_space<semaphore_mem>>)
        %dma_start3A_104 = tpu.memref_slice %arg4[%multiple_of3A_101] : memref<320000xi32, #tpu.memory_space<hbm>> -> memref<128xi32, #tpu.memory_space<hbm>>
        %dma_start3A_105 = tpu.memref_slice %arg4[%multiple_of3A_101] : memref<320000xi32, #tpu.memory_space<hbm>> -> memref<128xi32, #tpu.memory_space<hbm>>
        tpu.enqueue_dma source(%dma_start3A_105 : memref<128xi32, #tpu.memory_space<hbm>>) target(%arg9 : memref<128xi32, #tpu.memory_space<vmem>>) target_semaphore(%arg17 : memref<!tpu.dma_semaphore, #tpu.memory_space<semaphore_mem>>)
      } else {
      }
      %add3A_77 = arith.constant 1 : i32
      %add3A_78 = arith.addi %add3A_57, %add3A_77 : i32
      %dma_wait3A_79 = arith.constant 0 : i32
      %dma_wait3A_80 = arith.constant 0 : i32
      %dma_wait3A_81 = tpu.memref_slice %arg2[%dma_wait3A_79, %dma_wait3A_80] : memref<10000x128xf32, #tpu.memory_space<hbm>> -> memref<10000x128xf32, #tpu.memory_space<hbm>>
      tpu.wait_indirect_dma semaphore(%arg20 : memref<!tpu.dma_semaphore, #tpu.memory_space<semaphore_mem>>) src(%dma_wait3A_81 : memref<10000x128xf32, #tpu.memory_space<hbm>>) dst(%arg12 : memref<128x128xf32, #tpu.memory_space<vmem>>)
      %add3A_82 = arith.constant 1 : i32
      %add3A_83 = arith.addi %add3A_78, %add3A_82 : i32
      %lt3A_84 = arith.constant 78 : i32
      %lt3A_85 = arith.cmpi slt, %add3A_83, %lt3A_84 : i32
      %convert_element_type3A_86 = arith.extui %lt3A_85 : i1 to i32
      %cond3A_87 = arith.constant 0 : i32
      %cond3A_88 = arith.cmpi ne, %convert_element_type3A_86, %cond3A_87 : i32
      scf.if %cond3A_88 {
        %dma_wait3A_96 = arith.constant 0 : i32
        %dma_wait3A_97 = tpu.memref_slice %arg3[%dma_wait3A_96] : memref<320000xi32, #tpu.memory_space<hbm>> -> memref<128xi32, #tpu.memory_space<hbm>>
        %dma_wait3A_98 = arith.constant 0 : i32
        %dma_wait3A_99 = tpu.memref_slice %arg3[%dma_wait3A_98] : memref<320000xi32, #tpu.memory_space<hbm>> -> memref<128xi32, #tpu.memory_space<hbm>>
        tpu.wait_dma2 semaphore(%arg17 : memref<!tpu.dma_semaphore, #tpu.memory_space<semaphore_mem>>) src(%dma_wait3A_99 : memref<128xi32, #tpu.memory_space<hbm>>) dst(%arg7 : memref<128xi32, #tpu.memory_space<vmem>>)
        %dma_wait3A_100 = arith.constant 0 : i32
        %dma_wait3A_101 = tpu.memref_slice %arg4[%dma_wait3A_100] : memref<320000xi32, #tpu.memory_space<hbm>> -> memref<128xi32, #tpu.memory_space<hbm>>
        %dma_wait3A_102 = arith.constant 0 : i32
        %dma_wait3A_103 = tpu.memref_slice %arg4[%dma_wait3A_102] : memref<320000xi32, #tpu.memory_space<hbm>> -> memref<128xi32, #tpu.memory_space<hbm>>
        tpu.wait_dma2 semaphore(%arg17 : memref<!tpu.dma_semaphore, #tpu.memory_space<semaphore_mem>>) src(%dma_wait3A_103 : memref<128xi32, #tpu.memory_space<hbm>>) dst(%arg9 : memref<128xi32, #tpu.memory_space<vmem>>)
        %dma_start3A_104 = arith.constant 0 : i32
        %dma_start3A_105 = arith.constant 0 : i32
        %dma_start3A_106 = tpu.memref_slice %arg2[%dma_start3A_104, %dma_start3A_105] : memref<10000x128xf32, #tpu.memory_space<hbm>> -> memref<10000x128xf32, #tpu.memory_space<hbm>>
        tpu.enqueue_indirect_dma source(%dma_start3A_106 : memref<10000x128xf32, #tpu.memory_space<hbm>>) target(%arg11 : memref<128x128xf32, #tpu.memory_space<vmem>>) offsets(%arg7 : memref<128xi32, #tpu.memory_space<vmem>>) semaphore(%arg19 : memref<!tpu.dma_semaphore, #tpu.memory_space<semaphore_mem>>)
      } else {
      }
      "tpu.region"() ({
        %run_scoped3A = tpu.sem_alloc : memref<!tpu.dma_semaphore, #tpu.memory_space<semaphore_mem>>
        %dma_start3A_96 = arith.constant 0 : i32
        %dma_start3A_97 = arith.constant 0 : i32
        %dma_start3A_98 = tpu.memref_slice %arg16[%dma_start3A_96, %dma_start3A_97] : memref<10000x128xf32, #tpu.memory_space<vmem_shared>> -> memref<10000x128xf32, #tpu.memory_space<vmem_shared>>
        tpu.enqueue_indirect_dma source(%arg12 : memref<128x128xf32, #tpu.memory_space<vmem>>) target(%dma_start3A_98 : memref<10000x128xf32, #tpu.memory_space<vmem_shared>>) offsets(%arg10 : memref<128xi32, #tpu.memory_space<vmem>>) semaphore(%run_scoped3A : memref<!tpu.dma_semaphore, #tpu.memory_space<semaphore_mem>>) {add = true}
        %dma_wait3A_99 = arith.constant 0 : i32
        %dma_wait3A_100 = arith.constant 0 : i32
        %dma_wait3A_101 = tpu.memref_slice %arg16[%dma_wait3A_99, %dma_wait3A_100] : memref<10000x128xf32, #tpu.memory_space<vmem_shared>> -> memref<10000x128xf32, #tpu.memory_space<vmem_shared>>
        tpu.wait_indirect_dma semaphore(%run_scoped3A : memref<!tpu.dma_semaphore, #tpu.memory_space<semaphore_mem>>) src(%arg12 : memref<128x128xf32, #tpu.memory_space<vmem>>) dst(%dma_wait3A_101 : memref<10000x128xf32, #tpu.memory_space<vmem_shared>>)
        tpu.yield
      }) : () -> ()
      %add3A_89 = arith.constant 2 : i32
      %add3A_90 = arith.addi %add3A_78, %add3A_89 : i32
      %lt3A_91 = arith.constant 78 : i32
      %lt3A_92 = arith.cmpi slt, %add3A_90, %lt3A_91 : i32
      %convert_element_type3A_93 = arith.extui %lt3A_92 : i1 to i32
      %cond3A_94 = arith.constant 0 : i32
      %cond3A_95 = arith.cmpi ne, %convert_element_type3A_93, %cond3A_94 : i32
      scf.if %cond3A_95 {
        %add3A_96 = arith.constant 2 : i32
        %add3A_97 = arith.addi %add3A_78, %add3A_96 : i32
        %mul3A_98 = arith.constant 128 : i32
        %mul3A_99 = arith.muli %add3A_97, %mul3A_98 : i32
        %add3A_100 = arith.addi %multiple_of3A, %mul3A_99 : i32
        %multiple_of3A_101 = tpu.assume_multiple %add3A_100, 8 : i32
        %dma_start3A_102 = tpu.memref_slice %arg3[%multiple_of3A_101] : memref<320000xi32, #tpu.memory_space<hbm>> -> memref<128xi32, #tpu.memory_space<hbm>>
        %dma_start3A_103 = tpu.memref_slice %arg3[%multiple_of3A_101] : memref<320000xi32, #tpu.memory_space<hbm>> -> memref<128xi32, #tpu.memory_space<hbm>>
        tpu.enqueue_dma source(%dma_start3A_103 : memref<128xi32, #tpu.memory_space<hbm>>) target(%arg8 : memref<128xi32, #tpu.memory_space<vmem>>) target_semaphore(%arg18 : memref<!tpu.dma_semaphore, #tpu.memory_space<semaphore_mem>>)
        %dma_start3A_104 = tpu.memref_slice %arg4[%multiple_of3A_101] : memref<320000xi32, #tpu.memory_space<hbm>> -> memref<128xi32, #tpu.memory_space<hbm>>
        %dma_start3A_105 = tpu.memref_slice %arg4[%multiple_of3A_101] : memref<320000xi32, #tpu.memory_space<hbm>> -> memref<128xi32, #tpu.memory_space<hbm>>
        tpu.enqueue_dma source(%dma_start3A_105 : memref<128xi32, #tpu.memory_space<hbm>>) target(%arg10 : memref<128xi32, #tpu.memory_space<vmem>>) target_semaphore(%arg18 : memref<!tpu.dma_semaphore, #tpu.memory_space<semaphore_mem>>)
      } else {
      }
    }
    %scan3A_38 = arith.constant 39 : i32
    %add3A_39 = arith.constant 9984 : i32
    %add3A_40 = arith.addi %multiple_of3A, %add3A_39 : i32
    %multiple_of3A_41 = tpu.assume_multiple %add3A_40, 8 : i32
    "tpu.region"() ({
      %run_scoped3A = tpu.sem_alloc : memref<!tpu.dma_semaphore, #tpu.memory_space<semaphore_mem>>
      %dma_start3A_53 = tpu.memref_slice %arg3[%multiple_of3A_41] : memref<320000xi32, #tpu.memory_space<hbm>> -> memref<16xi32, #tpu.memory_space<hbm>>
      %dma_start3A_54 = tpu.memref_slice %arg3[%multiple_of3A_41] : memref<320000xi32, #tpu.memory_space<hbm>> -> memref<16xi32, #tpu.memory_space<hbm>>
      tpu.enqueue_dma source(%dma_start3A_54 : memref<16xi32, #tpu.memory_space<hbm>>) target(%arg13 : memref<16xi32, #tpu.memory_space<vmem>>) target_semaphore(%run_scoped3A : memref<!tpu.dma_semaphore, #tpu.memory_space<semaphore_mem>>)
      %dma_wait3A_55 = tpu.memref_slice %arg3[%multiple_of3A_41] : memref<320000xi32, #tpu.memory_space<hbm>> -> memref<16xi32, #tpu.memory_space<hbm>>
      %dma_wait3A_56 = tpu.memref_slice %arg3[%multiple_of3A_41] : memref<320000xi32, #tpu.memory_space<hbm>> -> memref<16xi32, #tpu.memory_space<hbm>>
      tpu.wait_dma2 semaphore(%run_scoped3A : memref<!tpu.dma_semaphore, #tpu.memory_space<semaphore_mem>>) src(%dma_wait3A_56 : memref<16xi32, #tpu.memory_space<hbm>>) dst(%arg13 : memref<16xi32, #tpu.memory_space<vmem>>)
      tpu.yield
    }) : () -> ()
    "tpu.region"() ({
      %run_scoped3A = tpu.sem_alloc : memref<!tpu.dma_semaphore, #tpu.memory_space<semaphore_mem>>
      %dma_start3A_53 = tpu.memref_slice %arg4[%multiple_of3A_41] : memref<320000xi32, #tpu.memory_space<hbm>> -> memref<16xi32, #tpu.memory_space<hbm>>
      %dma_start3A_54 = tpu.memref_slice %arg4[%multiple_of3A_41] : memref<320000xi32, #tpu.memory_space<hbm>> -> memref<16xi32, #tpu.memory_space<hbm>>
      tpu.enqueue_dma source(%dma_start3A_54 : memref<16xi32, #tpu.memory_space<hbm>>) target(%arg14 : memref<16xi32, #tpu.memory_space<vmem>>) target_semaphore(%run_scoped3A : memref<!tpu.dma_semaphore, #tpu.memory_space<semaphore_mem>>)
      %dma_wait3A_55 = tpu.memref_slice %arg4[%multiple_of3A_41] : memref<320000xi32, #tpu.memory_space<hbm>> -> memref<16xi32, #tpu.memory_space<hbm>>
      %dma_wait3A_56 = tpu.memref_slice %arg4[%multiple_of3A_41] : memref<320000xi32, #tpu.memory_space<hbm>> -> memref<16xi32, #tpu.memory_space<hbm>>
      tpu.wait_dma2 semaphore(%run_scoped3A : memref<!tpu.dma_semaphore, #tpu.memory_space<semaphore_mem>>) src(%dma_wait3A_56 : memref<16xi32, #tpu.memory_space<hbm>>) dst(%arg14 : memref<16xi32, #tpu.memory_space<vmem>>)
      tpu.yield
    }) : () -> ()
    "tpu.region"() ({
      %run_scoped3A = tpu.sem_alloc : memref<!tpu.dma_semaphore, #tpu.memory_space<semaphore_mem>>
      %dma_start3A_53 = arith.constant 0 : i32
      %dma_start3A_54 = arith.constant 0 : i32
      %dma_start3A_55 = tpu.memref_slice %arg2[%dma_start3A_53, %dma_start3A_54] : memref<10000x128xf32, #tpu.memory_space<hbm>> -> memref<10000x128xf32, #tpu.memory_space<hbm>>
      tpu.enqueue_indirect_dma source(%dma_start3A_55 : memref<10000x128xf32, #tpu.memory_space<hbm>>) target(%arg15 : memref<16x128xf32, #tpu.memory_space<vmem>>) offsets(%arg13 : memref<16xi32, #tpu.memory_space<vmem>>) semaphore(%run_scoped3A : memref<!tpu.dma_semaphore, #tpu.memory_space<semaphore_mem>>)
      %dma_wait3A_56 = arith.constant 0 : i32
      %dma_wait3A_57 = arith.constant 0 : i32
      %dma_wait3A_58 = tpu.memref_slice %arg2[%dma_wait3A_56, %dma_wait3A_57] : memref<10000x128xf32, #tpu.memory_space<hbm>> -> memref<10000x128xf32, #tpu.memory_space<hbm>>
      tpu.wait_indirect_dma semaphore(%run_scoped3A : memref<!tpu.dma_semaphore, #tpu.memory_space<semaphore_mem>>) src(%dma_wait3A_58 : memref<10000x128xf32, #tpu.memory_space<hbm>>) dst(%arg15 : memref<16x128xf32, #tpu.memory_space<vmem>>)
      tpu.yield
    }) : () -> ()
    "tpu.region"() ({
      %run_scoped3A = tpu.sem_alloc : memref<!tpu.dma_semaphore, #tpu.memory_space<semaphore_mem>>
      %dma_start3A_53 = arith.constant 0 : i32
      %dma_start3A_54 = arith.constant 0 : i32
      %dma_start3A_55 = tpu.memref_slice %arg16[%dma_start3A_53, %dma_start3A_54] : memref<10000x128xf32, #tpu.memory_space<vmem_shared>> -> memref<10000x128xf32, #tpu.memory_space<vmem_shared>>
      tpu.enqueue_indirect_dma source(%arg15 : memref<16x128xf32, #tpu.memory_space<vmem>>) target(%dma_start3A_55 : memref<10000x128xf32, #tpu.memory_space<vmem_shared>>) offsets(%arg14 : memref<16xi32, #tpu.memory_space<vmem>>) semaphore(%run_scoped3A : memref<!tpu.dma_semaphore, #tpu.memory_space<semaphore_mem>>) {add = true}
      %dma_wait3A_56 = arith.constant 0 : i32
      %dma_wait3A_57 = arith.constant 0 : i32
      %dma_wait3A_58 = tpu.memref_slice %arg16[%dma_wait3A_56, %dma_wait3A_57] : memref<10000x128xf32, #tpu.memory_space<vmem_shared>> -> memref<10000x128xf32, #tpu.memory_space<vmem_shared>>
      tpu.wait_indirect_dma semaphore(%run_scoped3A : memref<!tpu.dma_semaphore, #tpu.memory_space<semaphore_mem>>) src(%arg15 : memref<16x128xf32, #tpu.memory_space<vmem>>) dst(%dma_wait3A_58 : memref<10000x128xf32, #tpu.memory_space<vmem_shared>>)
      tpu.yield
    }) : () -> ()
    %barrier3A_42 = arith.constant 0 : index
    tpu.barrier barrier_id(%barrier3A_42)
    %lt3A_43 = arith.constant 15 : i32
    %lt3A_44 = arith.cmpi slt, %arg1, %lt3A_43 : i32
    %convert_element_type3A_45 = arith.extui %lt3A_44 : i1 to i32
    %cond3A_46 = arith.constant 0 : i32
    %cond3A_47 = arith.cmpi ne, %convert_element_type3A_45, %cond3A_46 : i32
    scf.if %cond3A_47 {
      "tpu.region"() ({
        %run_scoped3A = tpu.sem_alloc : memref<!tpu.dma_semaphore, #tpu.memory_space<semaphore_mem>>
        %dma_start3A_53 = arith.constant 0 : i32
        %dma_start3A_54 = tpu.memref_slice %arg6[%arg0, %multiple_of3A_18, %dma_start3A_53] : memref<2x10000x128xf32, #tpu.memory_space<hbm>> -> memref<1x624x128xf32, #tpu.memory_space<hbm>>
        %dma_start3A_55 = tpu.memref_squeeze %dma_start3A_54 : memref<1x624x128xf32, #tpu.memory_space<hbm>> -> memref<624x128xf32, #tpu.memory_space<hbm>>
        %dma_start3A_56 = arith.constant 0 : i32
        %dma_start3A_57 = tpu.memref_slice %arg16[%multiple_of3A_18, %dma_start3A_56] : memref<10000x128xf32, #tpu.memory_space<vmem_shared>> -> memref<624x128xf32, #tpu.memory_space<vmem_shared>>
        tpu.enqueue_dma source(%dma_start3A_57 : memref<624x128xf32, #tpu.memory_space<vmem_shared>>) target(%dma_start3A_55 : memref<624x128xf32, #tpu.memory_space<hbm>>) target_semaphore(%run_scoped3A : memref<!tpu.dma_semaphore, #tpu.memory_space<semaphore_mem>>)
        %dma_wait3A_58 = arith.constant 0 : i32
        %dma_wait3A_59 = tpu.memref_slice %arg6[%arg0, %multiple_of3A_18, %dma_wait3A_58] : memref<2x10000x128xf32, #tpu.memory_space<hbm>> -> memref<1x624x128xf32, #tpu.memory_space<hbm>>
        %dma_wait3A_60 = tpu.memref_squeeze %dma_wait3A_59 : memref<1x624x128xf32, #tpu.memory_space<hbm>> -> memref<624x128xf32, #tpu.memory_space<hbm>>
        %dma_wait3A_61 = arith.constant 0 : i32
        %dma_wait3A_62 = tpu.memref_slice %arg16[%multiple_of3A_18, %dma_wait3A_61] : memref<10000x128xf32, #tpu.memory_space<vmem_shared>> -> memref<624x128xf32, #tpu.memory_space<vmem_shared>>
        tpu.wait_dma2 semaphore(%run_scoped3A : memref<!tpu.dma_semaphore, #tpu.memory_space<semaphore_mem>>) src(%dma_wait3A_62 : memref<624x128xf32, #tpu.memory_space<vmem_shared>>) dst(%dma_wait3A_60 : memref<624x128xf32, #tpu.memory_space<hbm>>)
        tpu.yield
      }) : () -> ()
    } else {
    }
    %eq3A_48 = arith.constant 15 : i32
    %eq3A_49 = arith.cmpi eq, %arg1, %eq3A_48 : i32
    %convert_element_type3A_50 = arith.extui %eq3A_49 : i1 to i32
    %cond3A_51 = arith.constant 0 : i32
    %cond3A_52 = arith.cmpi ne, %convert_element_type3A_50, %cond3A_51 : i32
    scf.if %cond3A_52 {
      "tpu.region"() ({
        %run_scoped3A = tpu.sem_alloc : memref<!tpu.dma_semaphore, #tpu.memory_space<semaphore_mem>>
        %dma_start3A_53 = arith.constant 9360 : i32
        %dma_start3A_54 = arith.constant 0 : i32
        %dma_start3A_55 = tpu.memref_slice %arg6[%arg0, %dma_start3A_53, %dma_start3A_54] : memref<2x10000x128xf32, #tpu.memory_space<hbm>> -> memref<1x640x128xf32, #tpu.memory_space<hbm>>
        %dma_start3A_56 = tpu.memref_squeeze %dma_start3A_55 : memref<1x640x128xf32, #tpu.memory_space<hbm>> -> memref<640x128xf32, #tpu.memory_space<hbm>>
        %dma_start3A_57 = arith.constant 9360 : i32
        %dma_start3A_58 = arith.constant 0 : i32
        %dma_start3A_59 = tpu.memref_slice %arg16[%dma_start3A_57, %dma_start3A_58] : memref<10000x128xf32, #tpu.memory_space<vmem_shared>> -> memref<640x128xf32, #tpu.memory_space<vmem_shared>>
        tpu.enqueue_dma source(%dma_start3A_59 : memref<640x128xf32, #tpu.memory_space<vmem_shared>>) target(%dma_start3A_56 : memref<640x128xf32, #tpu.memory_space<hbm>>) target_semaphore(%run_scoped3A : memref<!tpu.dma_semaphore, #tpu.memory_space<semaphore_mem>>)
        %dma_wait3A_60 = arith.constant 9360 : i32
        %dma_wait3A_61 = arith.constant 0 : i32
        %dma_wait3A_62 = tpu.memref_slice %arg6[%arg0, %dma_wait3A_60, %dma_wait3A_61] : memref<2x10000x128xf32, #tpu.memory_space<hbm>> -> memref<1x640x128xf32, #tpu.memory_space<hbm>>
        %dma_wait3A_63 = tpu.memref_squeeze %dma_wait3A_62 : memref<1x640x128xf32, #tpu.memory_space<hbm>> -> memref<640x128xf32, #tpu.memory_space<hbm>>
        %dma_wait3A_64 = arith.constant 9360 : i32
        %dma_wait3A_65 = arith.constant 0 : i32
        %dma_wait3A_66 = tpu.memref_slice %arg16[%dma_wait3A_64, %dma_wait3A_65] : memref<10000x128xf32, #tpu.memory_space<vmem_shared>> -> memref<640x128xf32, #tpu.memory_space<vmem_shared>>
        tpu.wait_dma2 semaphore(%run_scoped3A : memref<!tpu.dma_semaphore, #tpu.memory_space<semaphore_mem>>) src(%dma_wait3A_66 : memref<640x128xf32, #tpu.memory_space<vmem_shared>>) dst(%dma_wait3A_63 : memref<640x128xf32, #tpu.memory_space<hbm>>)
        tpu.yield
      }) : () -> ()
    } else {
    }
    return
  }
}

#map = affine_map<(d0, d1) -> (0, 0)>
#map1 = affine_map<(d0, d1) -> (0)>
#map2 = affine_map<(d0, d1) -> (0, 0, 0)>
module attributes {stable_mosaic.version = 14 : i64} {
  func.func @_sc_agg_body(%arg0: i32, %arg1: i32, %arg2: memref<10000x128xf32, #tpu.memory_space<hbm>>, %arg3: memref<320000xi32, #tpu.memory_space<hbm>>, %arg4: memref<320000xi32, #tpu.memory_space<hbm>>, %arg5: memref<10000x128xf32, #tpu.memory_space<hbm>>, %arg6: memref<2x10000x128xf32, #tpu.memory_space<hbm>>, %arg7: memref<128xi32, #tpu.memory_space<vmem>>, %arg8: memref<128xi32, #tpu.memory_space<vmem>>, %arg9: memref<128xi32, #tpu.memory_space<vmem>>, %arg10: memref<128xi32, #tpu.memory_space<vmem>>, %arg11: memref<128x128xf32, #tpu.memory_space<vmem>>, %arg12: memref<128x128xf32, #tpu.memory_space<vmem>>, %arg13: memref<16xi32, #tpu.memory_space<vmem>>, %arg14: memref<16xi32, #tpu.memory_space<vmem>>, %arg15: memref<16x128xf32, #tpu.memory_space<vmem>>, %arg16: memref<10000x128xf32, #tpu.memory_space<vmem_shared>>, %arg17: memref<!tpu.dma_semaphore, #tpu.memory_space<semaphore_mem>>, %arg18: memref<!tpu.dma_semaphore, #tpu.memory_space<semaphore_mem>>, %arg19: memref<!tpu.dma_semaphore, #tpu.memory_space<semaphore_mem>>, %arg20: memref<!tpu.dma_semaphore, #tpu.memory_space<semaphore_mem>>) attributes {dimension_semantics = [#tpu.dimension_semantics<core_parallel>, #tpu.dimension_semantics<subcore_parallel>], iteration_bounds = array<i64: 2, 16>, scalar_prefetch = 0 : i64, scratch_operands = 14 : i64, tpu.core_type = #tpu.core_type<sc_vector_subcore>, window_params = [{transform_indices = #map}, {transform_indices = #map1}, {transform_indices = #map1}, {transform_indices = #map}, {transform_indices = #map2}]} {
    %mul3A = arith.constant 2 : i32
    %mul3A_0 = arith.muli %arg1, %mul3A : i32
    %add3A = arith.addi %mul3A_0, %arg0 : i32
    %mul3A_1 = arith.constant 10000 : i32
    %mul3A_2 = arith.muli %add3A, %mul3A_1 : i32
    %multiple_of3A = tpu.assume_multiple %mul3A_2, 8 : i32
    %add3A_3 = arith.constant 0 : i32
    %add3A_4 = arith.addi %multiple_of3A, %add3A_3 : i32
    %multiple_of3A_5 = tpu.assume_multiple %add3A_4, 8 : i32
    %dma_start3A = tpu.memref_slice %arg3[%multiple_of3A_5] : memref<320000xi32, #tpu.memory_space<hbm>> -> memref<128xi32, #tpu.memory_space<hbm>>
    %dma_start3A_6 = tpu.memref_slice %arg3[%multiple_of3A_5] : memref<320000xi32, #tpu.memory_space<hbm>> -> memref<128xi32, #tpu.memory_space<hbm>>
    tpu.enqueue_dma source(%dma_start3A_6 : memref<128xi32, #tpu.memory_space<hbm>>) target(%arg7 : memref<128xi32, #tpu.memory_space<vmem>>) target_semaphore(%arg17 : memref<!tpu.dma_semaphore, #tpu.memory_space<semaphore_mem>>)
    %dma_start3A_7 = tpu.memref_slice %arg4[%multiple_of3A_5] : memref<320000xi32, #tpu.memory_space<hbm>> -> memref<128xi32, #tpu.memory_space<hbm>>
    %dma_start3A_8 = tpu.memref_slice %arg4[%multiple_of3A_5] : memref<320000xi32, #tpu.memory_space<hbm>> -> memref<128xi32, #tpu.memory_space<hbm>>
    tpu.enqueue_dma source(%dma_start3A_8 : memref<128xi32, #tpu.memory_space<hbm>>) target(%arg9 : memref<128xi32, #tpu.memory_space<vmem>>) target_semaphore(%arg17 : memref<!tpu.dma_semaphore, #tpu.memory_space<semaphore_mem>>)
    %add3A_9 = arith.constant 128 : i32
    %add3A_10 = arith.addi %multiple_of3A, %add3A_9 : i32
    %multiple_of3A_11 = tpu.assume_multiple %add3A_10, 8 : i32
    %dma_start3A_12 = tpu.memref_slice %arg3[%multiple_of3A_11] : memref<320000xi32, #tpu.memory_space<hbm>> -> memref<128xi32, #tpu.memory_space<hbm>>
    %dma_start3A_13 = tpu.memref_slice %arg3[%multiple_of3A_11] : memref<320000xi32, #tpu.memory_space<hbm>> -> memref<128xi32, #tpu.memory_space<hbm>>
    tpu.enqueue_dma source(%dma_start3A_13 : memref<128xi32, #tpu.memory_space<hbm>>) target(%arg8 : memref<128xi32, #tpu.memory_space<vmem>>) target_semaphore(%arg18 : memref<!tpu.dma_semaphore, #tpu.memory_space<semaphore_mem>>)
    %dma_start3A_14 = tpu.memref_slice %arg4[%multiple_of3A_11] : memref<320000xi32, #tpu.memory_space<hbm>> -> memref<128xi32, #tpu.memory_space<hbm>>
    %dma_start3A_15 = tpu.memref_slice %arg4[%multiple_of3A_11] : memref<320000xi32, #tpu.memory_space<hbm>> -> memref<128xi32, #tpu.memory_space<hbm>>
    tpu.enqueue_dma source(%dma_start3A_15 : memref<128xi32, #tpu.memory_space<hbm>>) target(%arg10 : memref<128xi32, #tpu.memory_space<vmem>>) target_semaphore(%arg18 : memref<!tpu.dma_semaphore, #tpu.memory_space<semaphore_mem>>)
    %mul3A_16 = arith.constant 624 : i32
    %mul3A_17 = arith.muli %arg1, %mul3A_16 : i32
    %multiple_of3A_18 = tpu.assume_multiple %mul3A_17, 8 : i32
    %lt3A = arith.constant 15 : i32
    %lt3A_19 = arith.cmpi slt, %arg1, %lt3A : i32
    %convert_element_type3A = arith.extui %lt3A_19 : i1 to i32
    %cond3A = arith.constant 0 : i32
    %cond3A_20 = arith.cmpi ne, %convert_element_type3A, %cond3A : i32
    scf.if %cond3A_20 {
      "tpu.region"() ({
        %run_scoped3A = tpu.sem_alloc : memref<!tpu.dma_semaphore, #tpu.memory_space<semaphore_mem>>
        %dma_start3A_53 = arith.constant 0 : i32
        %dma_start3A_54 = tpu.memref_slice %arg16[%multiple_of3A_18, %dma_start3A_53] : memref<10000x128xf32, #tpu.memory_space<vmem_shared>> -> memref<624x128xf32, #tpu.memory_space<vmem_shared>>
        %dma_start3A_55 = arith.constant 0 : i32
        %dma_start3A_56 = tpu.memref_slice %arg5[%multiple_of3A_18, %dma_start3A_55] : memref<10000x128xf32, #tpu.memory_space<hbm>> -> memref<624x128xf32, #tpu.memory_space<hbm>>
        tpu.enqueue_dma source(%dma_start3A_56 : memref<624x128xf32, #tpu.memory_space<hbm>>) target(%dma_start3A_54 : memref<624x128xf32, #tpu.memory_space<vmem_shared>>) target_semaphore(%run_scoped3A : memref<!tpu.dma_semaphore, #tpu.memory_space<semaphore_mem>>)
        %dma_wait3A_57 = arith.constant 0 : i32
        %dma_wait3A_58 = tpu.memref_slice %arg16[%multiple_of3A_18, %dma_wait3A_57] : memref<10000x128xf32, #tpu.memory_space<vmem_shared>> -> memref<624x128xf32, #tpu.memory_space<vmem_shared>>
        %dma_wait3A_59 = arith.constant 0 : i32
        %dma_wait3A_60 = tpu.memref_slice %arg5[%multiple_of3A_18, %dma_wait3A_59] : memref<10000x128xf32, #tpu.memory_space<hbm>> -> memref<624x128xf32, #tpu.memory_space<hbm>>
        tpu.wait_dma2 semaphore(%run_scoped3A : memref<!tpu.dma_semaphore, #tpu.memory_space<semaphore_mem>>) src(%dma_wait3A_60 : memref<624x128xf32, #tpu.memory_space<hbm>>) dst(%dma_wait3A_58 : memref<624x128xf32, #tpu.memory_space<vmem_shared>>)
        tpu.yield
      }) : () -> ()
    } else {
    }
    %eq3A = arith.constant 15 : i32
    %eq3A_21 = arith.cmpi eq, %arg1, %eq3A : i32
    %convert_element_type3A_22 = arith.extui %eq3A_21 : i1 to i32
    %cond3A_23 = arith.constant 0 : i32
    %cond3A_24 = arith.cmpi ne, %convert_element_type3A_22, %cond3A_23 : i32
    scf.if %cond3A_24 {
      "tpu.region"() ({
        %run_scoped3A = tpu.sem_alloc : memref<!tpu.dma_semaphore, #tpu.memory_space<semaphore_mem>>
        %dma_start3A_53 = arith.constant 9360 : i32
        %dma_start3A_54 = arith.constant 0 : i32
        %dma_start3A_55 = tpu.memref_slice %arg16[%dma_start3A_53, %dma_start3A_54] : memref<10000x128xf32, #tpu.memory_space<vmem_shared>> -> memref<640x128xf32, #tpu.memory_space<vmem_shared>>
        %dma_start3A_56 = arith.constant 9360 : i32
        %dma_start3A_57 = arith.constant 0 : i32
        %dma_start3A_58 = tpu.memref_slice %arg5[%dma_start3A_56, %dma_start3A_57] : memref<10000x128xf32, #tpu.memory_space<hbm>> -> memref<640x128xf32, #tpu.memory_space<hbm>>
        tpu.enqueue_dma source(%dma_start3A_58 : memref<640x128xf32, #tpu.memory_space<hbm>>) target(%dma_start3A_55 : memref<640x128xf32, #tpu.memory_space<vmem_shared>>) target_semaphore(%run_scoped3A : memref<!tpu.dma_semaphore, #tpu.memory_space<semaphore_mem>>)
        %dma_wait3A_59 = arith.constant 9360 : i32
        %dma_wait3A_60 = arith.constant 0 : i32
        %dma_wait3A_61 = tpu.memref_slice %arg16[%dma_wait3A_59, %dma_wait3A_60] : memref<10000x128xf32, #tpu.memory_space<vmem_shared>> -> memref<640x128xf32, #tpu.memory_space<vmem_shared>>
        %dma_wait3A_62 = arith.constant 9360 : i32
        %dma_wait3A_63 = arith.constant 0 : i32
        %dma_wait3A_64 = tpu.memref_slice %arg5[%dma_wait3A_62, %dma_wait3A_63] : memref<10000x128xf32, #tpu.memory_space<hbm>> -> memref<640x128xf32, #tpu.memory_space<hbm>>
        tpu.wait_dma2 semaphore(%run_scoped3A : memref<!tpu.dma_semaphore, #tpu.memory_space<semaphore_mem>>) src(%dma_wait3A_64 : memref<640x128xf32, #tpu.memory_space<hbm>>) dst(%dma_wait3A_61 : memref<640x128xf32, #tpu.memory_space<vmem_shared>>)
        tpu.yield
      }) : () -> ()
    } else {
    }
    %barrier3A = arith.constant 0 : index
    tpu.barrier barrier_id(%barrier3A)
    %dma_wait3A = arith.constant 0 : i32
    %dma_wait3A_25 = tpu.memref_slice %arg3[%dma_wait3A] : memref<320000xi32, #tpu.memory_space<hbm>> -> memref<128xi32, #tpu.memory_space<hbm>>
    %dma_wait3A_26 = arith.constant 0 : i32
    %dma_wait3A_27 = tpu.memref_slice %arg3[%dma_wait3A_26] : memref<320000xi32, #tpu.memory_space<hbm>> -> memref<128xi32, #tpu.memory_space<hbm>>
    tpu.wait_dma2 semaphore(%arg17 : memref<!tpu.dma_semaphore, #tpu.memory_space<semaphore_mem>>) src(%dma_wait3A_27 : memref<128xi32, #tpu.memory_space<hbm>>) dst(%arg7 : memref<128xi32, #tpu.memory_space<vmem>>)
    %dma_wait3A_28 = arith.constant 0 : i32
    %dma_wait3A_29 = tpu.memref_slice %arg4[%dma_wait3A_28] : memref<320000xi32, #tpu.memory_space<hbm>> -> memref<128xi32, #tpu.memory_space<hbm>>
    %dma_wait3A_30 = arith.constant 0 : i32
    %dma_wait3A_31 = tpu.memref_slice %arg4[%dma_wait3A_30] : memref<320000xi32, #tpu.memory_space<hbm>> -> memref<128xi32, #tpu.memory_space<hbm>>
    tpu.wait_dma2 semaphore(%arg17 : memref<!tpu.dma_semaphore, #tpu.memory_space<semaphore_mem>>) src(%dma_wait3A_31 : memref<128xi32, #tpu.memory_space<hbm>>) dst(%arg9 : memref<128xi32, #tpu.memory_space<vmem>>)
    %dma_start3A_32 = arith.constant 0 : i32
    %dma_start3A_33 = arith.constant 0 : i32
    %dma_start3A_34 = tpu.memref_slice %arg2[%dma_start3A_32, %dma_start3A_33] : memref<10000x128xf32, #tpu.memory_space<hbm>> -> memref<10000x128xf32, #tpu.memory_space<hbm>>
    tpu.enqueue_indirect_dma source(%dma_start3A_34 : memref<10000x128xf32, #tpu.memory_space<hbm>>) target(%arg11 : memref<128x128xf32, #tpu.memory_space<vmem>>) offsets(%arg7 : memref<128xi32, #tpu.memory_space<vmem>>) semaphore(%arg19 : memref<!tpu.dma_semaphore, #tpu.memory_space<semaphore_mem>>)
    %scan3A = arith.constant 0 : i32
    %scan3A_35 = arith.constant 39 : i32
    %scan3A_36 = arith.addi %scan3A, %scan3A_35 : i32
    %scan3A_37 = arith.constant 1 : i32
    scf.for %scan3A_53 = %scan3A to %scan3A_36 step %scan3A_37  : i32 {
      %mul3A_54 = arith.constant 2 : i32
      %mul3A_55 = arith.muli %scan3A_53, %mul3A_54 : i32
      %add3A_56 = arith.constant 0 : i32
      %add3A_57 = arith.addi %add3A_56, %mul3A_55 : i32
      %add3A_58 = arith.constant 0 : i32
      %add3A_59 = arith.addi %add3A_57, %add3A_58 : i32
      %dma_wait3A_60 = arith.constant 0 : i32
      %dma_wait3A_61 = arith.constant 0 : i32
      %dma_wait3A_62 = tpu.memref_slice %arg2[%dma_wait3A_60, %dma_wait3A_61] : memref<10000x128xf32, #tpu.memory_space<hbm>> -> memref<10000x128xf32, #tpu.memory_space<hbm>>
      tpu.wait_indirect_dma semaphore(%arg19 : memref<!tpu.dma_semaphore, #tpu.memory_space<semaphore_mem>>) src(%dma_wait3A_62 : memref<10000x128xf32, #tpu.memory_space<hbm>>) dst(%arg11 : memref<128x128xf32, #tpu.memory_space<vmem>>)
      %add3A_63 = arith.constant 1 : i32
      %add3A_64 = arith.addi %add3A_59, %add3A_63 : i32
      %lt3A_65 = arith.constant 78 : i32
      %lt3A_66 = arith.cmpi slt, %add3A_64, %lt3A_65 : i32
      %convert_element_type3A_67 = arith.extui %lt3A_66 : i1 to i32
      %cond3A_68 = arith.constant 0 : i32
      %cond3A_69 = arith.cmpi ne, %convert_element_type3A_67, %cond3A_68 : i32
      scf.if %cond3A_69 {
        %dma_wait3A_96 = arith.constant 0 : i32
        %dma_wait3A_97 = tpu.memref_slice %arg3[%dma_wait3A_96] : memref<320000xi32, #tpu.memory_space<hbm>> -> memref<128xi32, #tpu.memory_space<hbm>>
        %dma_wait3A_98 = arith.constant 0 : i32
        %dma_wait3A_99 = tpu.memref_slice %arg3[%dma_wait3A_98] : memref<320000xi32, #tpu.memory_space<hbm>> -> memref<128xi32, #tpu.memory_space<hbm>>
        tpu.wait_dma2 semaphore(%arg18 : memref<!tpu.dma_semaphore, #tpu.memory_space<semaphore_mem>>) src(%dma_wait3A_99 : memref<128xi32, #tpu.memory_space<hbm>>) dst(%arg8 : memref<128xi32, #tpu.memory_space<vmem>>)
        %dma_wait3A_100 = arith.constant 0 : i32
        %dma_wait3A_101 = tpu.memref_slice %arg4[%dma_wait3A_100] : memref<320000xi32, #tpu.memory_space<hbm>> -> memref<128xi32, #tpu.memory_space<hbm>>
        %dma_wait3A_102 = arith.constant 0 : i32
        %dma_wait3A_103 = tpu.memref_slice %arg4[%dma_wait3A_102] : memref<320000xi32, #tpu.memory_space<hbm>> -> memref<128xi32, #tpu.memory_space<hbm>>
        tpu.wait_dma2 semaphore(%arg18 : memref<!tpu.dma_semaphore, #tpu.memory_space<semaphore_mem>>) src(%dma_wait3A_103 : memref<128xi32, #tpu.memory_space<hbm>>) dst(%arg10 : memref<128xi32, #tpu.memory_space<vmem>>)
        %dma_start3A_104 = arith.constant 0 : i32
        %dma_start3A_105 = arith.constant 0 : i32
        %dma_start3A_106 = tpu.memref_slice %arg2[%dma_start3A_104, %dma_start3A_105] : memref<10000x128xf32, #tpu.memory_space<hbm>> -> memref<10000x128xf32, #tpu.memory_space<hbm>>
        tpu.enqueue_indirect_dma source(%dma_start3A_106 : memref<10000x128xf32, #tpu.memory_space<hbm>>) target(%arg12 : memref<128x128xf32, #tpu.memory_space<vmem>>) offsets(%arg8 : memref<128xi32, #tpu.memory_space<vmem>>) semaphore(%arg20 : memref<!tpu.dma_semaphore, #tpu.memory_space<semaphore_mem>>)
      } else {
      }
      "tpu.region"() ({
        %run_scoped3A = tpu.sem_alloc : memref<!tpu.dma_semaphore, #tpu.memory_space<semaphore_mem>>
        %dma_start3A_96 = arith.constant 0 : i32
        %dma_start3A_97 = arith.constant 0 : i32
        %dma_start3A_98 = tpu.memref_slice %arg16[%dma_start3A_96, %dma_start3A_97] : memref<10000x128xf32, #tpu.memory_space<vmem_shared>> -> memref<10000x128xf32, #tpu.memory_space<vmem_shared>>
        tpu.enqueue_indirect_dma source(%arg11 : memref<128x128xf32, #tpu.memory_space<vmem>>) target(%dma_start3A_98 : memref<10000x128xf32, #tpu.memory_space<vmem_shared>>) offsets(%arg9 : memref<128xi32, #tpu.memory_space<vmem>>) semaphore(%run_scoped3A : memref<!tpu.dma_semaphore, #tpu.memory_space<semaphore_mem>>) {add = true}
        %dma_wait3A_99 = arith.constant 0 : i32
        %dma_wait3A_100 = arith.constant 0 : i32
        %dma_wait3A_101 = tpu.memref_slice %arg16[%dma_wait3A_99, %dma_wait3A_100] : memref<10000x128xf32, #tpu.memory_space<vmem_shared>> -> memref<10000x128xf32, #tpu.memory_space<vmem_shared>>
        tpu.wait_indirect_dma semaphore(%run_scoped3A : memref<!tpu.dma_semaphore, #tpu.memory_space<semaphore_mem>>) src(%arg11 : memref<128x128xf32, #tpu.memory_space<vmem>>) dst(%dma_wait3A_101 : memref<10000x128xf32, #tpu.memory_space<vmem_shared>>)
        tpu.yield
      }) : () -> ()
      %add3A_70 = arith.constant 2 : i32
      %add3A_71 = arith.addi %add3A_59, %add3A_70 : i32
      %lt3A_72 = arith.constant 78 : i32
      %lt3A_73 = arith.cmpi slt, %add3A_71, %lt3A_72 : i32
      %convert_element_type3A_74 = arith.extui %lt3A_73 : i1 to i32
      %cond3A_75 = arith.constant 0 : i32
      %cond3A_76 = arith.cmpi ne, %convert_element_type3A_74, %cond3A_75 : i32
      scf.if %cond3A_76 {
        %add3A_96 = arith.constant 2 : i32
        %add3A_97 = arith.addi %add3A_59, %add3A_96 : i32
        %mul3A_98 = arith.constant 128 : i32
        %mul3A_99 = arith.muli %add3A_97, %mul3A_98 : i32
        %add3A_100 = arith.addi %multiple_of3A, %mul3A_99 : i32
        %multiple_of3A_101 = tpu.assume_multiple %add3A_100, 8 : i32
        %dma_start3A_102 = tpu.memref_slice %arg3[%multiple_of3A_101] : memref<320000xi32, #tpu.memory_space<hbm>> -> memref<128xi32, #tpu.memory_space<hbm>>
        %dma_start3A_103 = tpu.memref_slice %arg3[%multiple_of3A_101] : memref<320000xi32, #tpu.memory_space<hbm>> -> memref<128xi32, #tpu.memory_space<hbm>>
        tpu.enqueue_dma source(%dma_start3A_103 : memref<128xi32, #tpu.memory_space<hbm>>) target(%arg7 : memref<128xi32, #tpu.memory_space<vmem>>) target_semaphore(%arg17 : memref<!tpu.dma_semaphore, #tpu.memory_space<semaphore_mem>>)
        %dma_start3A_104 = tpu.memref_slice %arg4[%multiple_of3A_101] : memref<320000xi32, #tpu.memory_space<hbm>> -> memref<128xi32, #tpu.memory_space<hbm>>
        %dma_start3A_105 = tpu.memref_slice %arg4[%multiple_of3A_101] : memref<320000xi32, #tpu.memory_space<hbm>> -> memref<128xi32, #tpu.memory_space<hbm>>
        tpu.enqueue_dma source(%dma_start3A_105 : memref<128xi32, #tpu.memory_space<hbm>>) target(%arg9 : memref<128xi32, #tpu.memory_space<vmem>>) target_semaphore(%arg17 : memref<!tpu.dma_semaphore, #tpu.memory_space<semaphore_mem>>)
      } else {
      }
      %add3A_77 = arith.constant 1 : i32
      %add3A_78 = arith.addi %add3A_57, %add3A_77 : i32
      %dma_wait3A_79 = arith.constant 0 : i32
      %dma_wait3A_80 = arith.constant 0 : i32
      %dma_wait3A_81 = tpu.memref_slice %arg2[%dma_wait3A_79, %dma_wait3A_80] : memref<10000x128xf32, #tpu.memory_space<hbm>> -> memref<10000x128xf32, #tpu.memory_space<hbm>>
      tpu.wait_indirect_dma semaphore(%arg20 : memref<!tpu.dma_semaphore, #tpu.memory_space<semaphore_mem>>) src(%dma_wait3A_81 : memref<10000x128xf32, #tpu.memory_space<hbm>>) dst(%arg12 : memref<128x128xf32, #tpu.memory_space<vmem>>)
      %add3A_82 = arith.constant 1 : i32
      %add3A_83 = arith.addi %add3A_78, %add3A_82 : i32
      %lt3A_84 = arith.constant 78 : i32
      %lt3A_85 = arith.cmpi slt, %add3A_83, %lt3A_84 : i32
      %convert_element_type3A_86 = arith.extui %lt3A_85 : i1 to i32
      %cond3A_87 = arith.constant 0 : i32
      %cond3A_88 = arith.cmpi ne, %convert_element_type3A_86, %cond3A_87 : i32
      scf.if %cond3A_88 {
        %dma_wait3A_96 = arith.constant 0 : i32
        %dma_wait3A_97 = tpu.memref_slice %arg3[%dma_wait3A_96] : memref<320000xi32, #tpu.memory_space<hbm>> -> memref<128xi32, #tpu.memory_space<hbm>>
        %dma_wait3A_98 = arith.constant 0 : i32
        %dma_wait3A_99 = tpu.memref_slice %arg3[%dma_wait3A_98] : memref<320000xi32, #tpu.memory_space<hbm>> -> memref<128xi32, #tpu.memory_space<hbm>>
        tpu.wait_dma2 semaphore(%arg17 : memref<!tpu.dma_semaphore, #tpu.memory_space<semaphore_mem>>) src(%dma_wait3A_99 : memref<128xi32, #tpu.memory_space<hbm>>) dst(%arg7 : memref<128xi32, #tpu.memory_space<vmem>>)
        %dma_wait3A_100 = arith.constant 0 : i32
        %dma_wait3A_101 = tpu.memref_slice %arg4[%dma_wait3A_100] : memref<320000xi32, #tpu.memory_space<hbm>> -> memref<128xi32, #tpu.memory_space<hbm>>
        %dma_wait3A_102 = arith.constant 0 : i32
        %dma_wait3A_103 = tpu.memref_slice %arg4[%dma_wait3A_102] : memref<320000xi32, #tpu.memory_space<hbm>> -> memref<128xi32, #tpu.memory_space<hbm>>
        tpu.wait_dma2 semaphore(%arg17 : memref<!tpu.dma_semaphore, #tpu.memory_space<semaphore_mem>>) src(%dma_wait3A_103 : memref<128xi32, #tpu.memory_space<hbm>>) dst(%arg9 : memref<128xi32, #tpu.memory_space<vmem>>)
        %dma_start3A_104 = arith.constant 0 : i32
        %dma_start3A_105 = arith.constant 0 : i32
        %dma_start3A_106 = tpu.memref_slice %arg2[%dma_start3A_104, %dma_start3A_105] : memref<10000x128xf32, #tpu.memory_space<hbm>> -> memref<10000x128xf32, #tpu.memory_space<hbm>>
        tpu.enqueue_indirect_dma source(%dma_start3A_106 : memref<10000x128xf32, #tpu.memory_space<hbm>>) target(%arg11 : memref<128x128xf32, #tpu.memory_space<vmem>>) offsets(%arg7 : memref<128xi32, #tpu.memory_space<vmem>>) semaphore(%arg19 : memref<!tpu.dma_semaphore, #tpu.memory_space<semaphore_mem>>)
      } else {
      }
      "tpu.region"() ({
        %run_scoped3A = tpu.sem_alloc : memref<!tpu.dma_semaphore, #tpu.memory_space<semaphore_mem>>
        %dma_start3A_96 = arith.constant 0 : i32
        %dma_start3A_97 = arith.constant 0 : i32
        %dma_start3A_98 = tpu.memref_slice %arg16[%dma_start3A_96, %dma_start3A_97] : memref<10000x128xf32, #tpu.memory_space<vmem_shared>> -> memref<10000x128xf32, #tpu.memory_space<vmem_shared>>
        tpu.enqueue_indirect_dma source(%arg12 : memref<128x128xf32, #tpu.memory_space<vmem>>) target(%dma_start3A_98 : memref<10000x128xf32, #tpu.memory_space<vmem_shared>>) offsets(%arg10 : memref<128xi32, #tpu.memory_space<vmem>>) semaphore(%run_scoped3A : memref<!tpu.dma_semaphore, #tpu.memory_space<semaphore_mem>>) {add = true}
        %dma_wait3A_99 = arith.constant 0 : i32
        %dma_wait3A_100 = arith.constant 0 : i32
        %dma_wait3A_101 = tpu.memref_slice %arg16[%dma_wait3A_99, %dma_wait3A_100] : memref<10000x128xf32, #tpu.memory_space<vmem_shared>> -> memref<10000x128xf32, #tpu.memory_space<vmem_shared>>
        tpu.wait_indirect_dma semaphore(%run_scoped3A : memref<!tpu.dma_semaphore, #tpu.memory_space<semaphore_mem>>) src(%arg12 : memref<128x128xf32, #tpu.memory_space<vmem>>) dst(%dma_wait3A_101 : memref<10000x128xf32, #tpu.memory_space<vmem_shared>>)
        tpu.yield
      }) : () -> ()
      %add3A_89 = arith.constant 2 : i32
      %add3A_90 = arith.addi %add3A_78, %add3A_89 : i32
      %lt3A_91 = arith.constant 78 : i32
      %lt3A_92 = arith.cmpi slt, %add3A_90, %lt3A_91 : i32
      %convert_element_type3A_93 = arith.extui %lt3A_92 : i1 to i32
      %cond3A_94 = arith.constant 0 : i32
      %cond3A_95 = arith.cmpi ne, %convert_element_type3A_93, %cond3A_94 : i32
      scf.if %cond3A_95 {
        %add3A_96 = arith.constant 2 : i32
        %add3A_97 = arith.addi %add3A_78, %add3A_96 : i32
        %mul3A_98 = arith.constant 128 : i32
        %mul3A_99 = arith.muli %add3A_97, %mul3A_98 : i32
        %add3A_100 = arith.addi %multiple_of3A, %mul3A_99 : i32
        %multiple_of3A_101 = tpu.assume_multiple %add3A_100, 8 : i32
        %dma_start3A_102 = tpu.memref_slice %arg3[%multiple_of3A_101] : memref<320000xi32, #tpu.memory_space<hbm>> -> memref<128xi32, #tpu.memory_space<hbm>>
        %dma_start3A_103 = tpu.memref_slice %arg3[%multiple_of3A_101] : memref<320000xi32, #tpu.memory_space<hbm>> -> memref<128xi32, #tpu.memory_space<hbm>>
        tpu.enqueue_dma source(%dma_start3A_103 : memref<128xi32, #tpu.memory_space<hbm>>) target(%arg8 : memref<128xi32, #tpu.memory_space<vmem>>) target_semaphore(%arg18 : memref<!tpu.dma_semaphore, #tpu.memory_space<semaphore_mem>>)
        %dma_start3A_104 = tpu.memref_slice %arg4[%multiple_of3A_101] : memref<320000xi32, #tpu.memory_space<hbm>> -> memref<128xi32, #tpu.memory_space<hbm>>
        %dma_start3A_105 = tpu.memref_slice %arg4[%multiple_of3A_101] : memref<320000xi32, #tpu.memory_space<hbm>> -> memref<128xi32, #tpu.memory_space<hbm>>
        tpu.enqueue_dma source(%dma_start3A_105 : memref<128xi32, #tpu.memory_space<hbm>>) target(%arg10 : memref<128xi32, #tpu.memory_space<vmem>>) target_semaphore(%arg18 : memref<!tpu.dma_semaphore, #tpu.memory_space<semaphore_mem>>)
      } else {
      }
    }
    %scan3A_38 = arith.constant 39 : i32
    %add3A_39 = arith.constant 9984 : i32
    %add3A_40 = arith.addi %multiple_of3A, %add3A_39 : i32
    %multiple_of3A_41 = tpu.assume_multiple %add3A_40, 8 : i32
    "tpu.region"() ({
      %run_scoped3A = tpu.sem_alloc : memref<!tpu.dma_semaphore, #tpu.memory_space<semaphore_mem>>
      %dma_start3A_53 = tpu.memref_slice %arg3[%multiple_of3A_41] : memref<320000xi32, #tpu.memory_space<hbm>> -> memref<16xi32, #tpu.memory_space<hbm>>
      %dma_start3A_54 = tpu.memref_slice %arg3[%multiple_of3A_41] : memref<320000xi32, #tpu.memory_space<hbm>> -> memref<16xi32, #tpu.memory_space<hbm>>
      tpu.enqueue_dma source(%dma_start3A_54 : memref<16xi32, #tpu.memory_space<hbm>>) target(%arg13 : memref<16xi32, #tpu.memory_space<vmem>>) target_semaphore(%run_scoped3A : memref<!tpu.dma_semaphore, #tpu.memory_space<semaphore_mem>>)
      %dma_wait3A_55 = tpu.memref_slice %arg3[%multiple_of3A_41] : memref<320000xi32, #tpu.memory_space<hbm>> -> memref<16xi32, #tpu.memory_space<hbm>>
      %dma_wait3A_56 = tpu.memref_slice %arg3[%multiple_of3A_41] : memref<320000xi32, #tpu.memory_space<hbm>> -> memref<16xi32, #tpu.memory_space<hbm>>
      tpu.wait_dma2 semaphore(%run_scoped3A : memref<!tpu.dma_semaphore, #tpu.memory_space<semaphore_mem>>) src(%dma_wait3A_56 : memref<16xi32, #tpu.memory_space<hbm>>) dst(%arg13 : memref<16xi32, #tpu.memory_space<vmem>>)
      tpu.yield
    }) : () -> ()
    "tpu.region"() ({
      %run_scoped3A = tpu.sem_alloc : memref<!tpu.dma_semaphore, #tpu.memory_space<semaphore_mem>>
      %dma_start3A_53 = tpu.memref_slice %arg4[%multiple_of3A_41] : memref<320000xi32, #tpu.memory_space<hbm>> -> memref<16xi32, #tpu.memory_space<hbm>>
      %dma_start3A_54 = tpu.memref_slice %arg4[%multiple_of3A_41] : memref<320000xi32, #tpu.memory_space<hbm>> -> memref<16xi32, #tpu.memory_space<hbm>>
      tpu.enqueue_dma source(%dma_start3A_54 : memref<16xi32, #tpu.memory_space<hbm>>) target(%arg14 : memref<16xi32, #tpu.memory_space<vmem>>) target_semaphore(%run_scoped3A : memref<!tpu.dma_semaphore, #tpu.memory_space<semaphore_mem>>)
      %dma_wait3A_55 = tpu.memref_slice %arg4[%multiple_of3A_41] : memref<320000xi32, #tpu.memory_space<hbm>> -> memref<16xi32, #tpu.memory_space<hbm>>
      %dma_wait3A_56 = tpu.memref_slice %arg4[%multiple_of3A_41] : memref<320000xi32, #tpu.memory_space<hbm>> -> memref<16xi32, #tpu.memory_space<hbm>>
      tpu.wait_dma2 semaphore(%run_scoped3A : memref<!tpu.dma_semaphore, #tpu.memory_space<semaphore_mem>>) src(%dma_wait3A_56 : memref<16xi32, #tpu.memory_space<hbm>>) dst(%arg14 : memref<16xi32, #tpu.memory_space<vmem>>)
      tpu.yield
    }) : () -> ()
    "tpu.region"() ({
      %run_scoped3A = tpu.sem_alloc : memref<!tpu.dma_semaphore, #tpu.memory_space<semaphore_mem>>
      %dma_start3A_53 = arith.constant 0 : i32
      %dma_start3A_54 = arith.constant 0 : i32
      %dma_start3A_55 = tpu.memref_slice %arg2[%dma_start3A_53, %dma_start3A_54] : memref<10000x128xf32, #tpu.memory_space<hbm>> -> memref<10000x128xf32, #tpu.memory_space<hbm>>
      tpu.enqueue_indirect_dma source(%dma_start3A_55 : memref<10000x128xf32, #tpu.memory_space<hbm>>) target(%arg15 : memref<16x128xf32, #tpu.memory_space<vmem>>) offsets(%arg13 : memref<16xi32, #tpu.memory_space<vmem>>) semaphore(%run_scoped3A : memref<!tpu.dma_semaphore, #tpu.memory_space<semaphore_mem>>)
      %dma_wait3A_56 = arith.constant 0 : i32
      %dma_wait3A_57 = arith.constant 0 : i32
      %dma_wait3A_58 = tpu.memref_slice %arg2[%dma_wait3A_56, %dma_wait3A_57] : memref<10000x128xf32, #tpu.memory_space<hbm>> -> memref<10000x128xf32, #tpu.memory_space<hbm>>
      tpu.wait_indirect_dma semaphore(%run_scoped3A : memref<!tpu.dma_semaphore, #tpu.memory_space<semaphore_mem>>) src(%dma_wait3A_58 : memref<10000x128xf32, #tpu.memory_space<hbm>>) dst(%arg15 : memref<16x128xf32, #tpu.memory_space<vmem>>)
      tpu.yield
    }) : () -> ()
    "tpu.region"() ({
      %run_scoped3A = tpu.sem_alloc : memref<!tpu.dma_semaphore, #tpu.memory_space<semaphore_mem>>
      %dma_start3A_53 = arith.constant 0 : i32
      %dma_start3A_54 = arith.constant 0 : i32
      %dma_start3A_55 = tpu.memref_slice %arg16[%dma_start3A_53, %dma_start3A_54] : memref<10000x128xf32, #tpu.memory_space<vmem_shared>> -> memref<10000x128xf32, #tpu.memory_space<vmem_shared>>
      tpu.enqueue_indirect_dma source(%arg15 : memref<16x128xf32, #tpu.memory_space<vmem>>) target(%dma_start3A_55 : memref<10000x128xf32, #tpu.memory_space<vmem_shared>>) offsets(%arg14 : memref<16xi32, #tpu.memory_space<vmem>>) semaphore(%run_scoped3A : memref<!tpu.dma_semaphore, #tpu.memory_space<semaphore_mem>>) {add = true}
      %dma_wait3A_56 = arith.constant 0 : i32
      %dma_wait3A_57 = arith.constant 0 : i32
      %dma_wait3A_58 = tpu.memref_slice %arg16[%dma_wait3A_56, %dma_wait3A_57] : memref<10000x128xf32, #tpu.memory_space<vmem_shared>> -> memref<10000x128xf32, #tpu.memory_space<vmem_shared>>
      tpu.wait_indirect_dma semaphore(%run_scoped3A : memref<!tpu.dma_semaphore, #tpu.memory_space<semaphore_mem>>) src(%arg15 : memref<16x128xf32, #tpu.memory_space<vmem>>) dst(%dma_wait3A_58 : memref<10000x128xf32, #tpu.memory_space<vmem_shared>>)
      tpu.yield
    }) : () -> ()
    %barrier3A_42 = arith.constant 0 : index
    tpu.barrier barrier_id(%barrier3A_42)
    %lt3A_43 = arith.constant 15 : i32
    %lt3A_44 = arith.cmpi slt, %arg1, %lt3A_43 : i32
    %convert_element_type3A_45 = arith.extui %lt3A_44 : i1 to i32
    %cond3A_46 = arith.constant 0 : i32
    %cond3A_47 = arith.cmpi ne, %convert_element_type3A_45, %cond3A_46 : i32
    scf.if %cond3A_47 {
      "tpu.region"() ({
        %run_scoped3A = tpu.sem_alloc : memref<!tpu.dma_semaphore, #tpu.memory_space<semaphore_mem>>
        %dma_start3A_53 = arith.constant 0 : i32
        %dma_start3A_54 = tpu.memref_slice %arg6[%arg0, %multiple_of3A_18, %dma_start3A_53] : memref<2x10000x128xf32, #tpu.memory_space<hbm>> -> memref<1x624x128xf32, #tpu.memory_space<hbm>>
        %dma_start3A_55 = tpu.memref_squeeze %dma_start3A_54 : memref<1x624x128xf32, #tpu.memory_space<hbm>> -> memref<624x128xf32, #tpu.memory_space<hbm>>
        %dma_start3A_56 = arith.constant 0 : i32
        %dma_start3A_57 = tpu.memref_slice %arg16[%multiple_of3A_18, %dma_start3A_56] : memref<10000x128xf32, #tpu.memory_space<vmem_shared>> -> memref<624x128xf32, #tpu.memory_space<vmem_shared>>
        tpu.enqueue_dma source(%dma_start3A_57 : memref<624x128xf32, #tpu.memory_space<vmem_shared>>) target(%dma_start3A_55 : memref<624x128xf32, #tpu.memory_space<hbm>>) target_semaphore(%run_scoped3A : memref<!tpu.dma_semaphore, #tpu.memory_space<semaphore_mem>>)
        %dma_wait3A_58 = arith.constant 0 : i32
        %dma_wait3A_59 = tpu.memref_slice %arg6[%arg0, %multiple_of3A_18, %dma_wait3A_58] : memref<2x10000x128xf32, #tpu.memory_space<hbm>> -> memref<1x624x128xf32, #tpu.memory_space<hbm>>
        %dma_wait3A_60 = tpu.memref_squeeze %dma_wait3A_59 : memref<1x624x128xf32, #tpu.memory_space<hbm>> -> memref<624x128xf32, #tpu.memory_space<hbm>>
        %dma_wait3A_61 = arith.constant 0 : i32
        %dma_wait3A_62 = tpu.memref_slice %arg16[%multiple_of3A_18, %dma_wait3A_61] : memref<10000x128xf32, #tpu.memory_space<vmem_shared>> -> memref<624x128xf32, #tpu.memory_space<vmem_shared>>
        tpu.wait_dma2 semaphore(%run_scoped3A : memref<!tpu.dma_semaphore, #tpu.memory_space<semaphore_mem>>) src(%dma_wait3A_62 : memref<624x128xf32, #tpu.memory_space<vmem_shared>>) dst(%dma_wait3A_60 : memref<624x128xf32, #tpu.memory_space<hbm>>)
        tpu.yield
      }) : () -> ()
    } else {
    }
    %eq3A_48 = arith.constant 15 : i32
    %eq3A_49 = arith.cmpi eq, %arg1, %eq3A_48 : i32
    %convert_element_type3A_50 = arith.extui %eq3A_49 : i1 to i32
    %cond3A_51 = arith.constant 0 : i32
    %cond3A_52 = arith.cmpi ne, %convert_element_type3A_50, %cond3A_51 : i32
    scf.if %cond3A_52 {
      "tpu.region"() ({
        %run_scoped3A = tpu.sem_alloc : memref<!tpu.dma_semaphore, #tpu.memory_space<semaphore_mem>>
        %dma_start3A_53 = arith.constant 9360 : i32
        %dma_start3A_54 = arith.constant 0 : i32
        %dma_start3A_55 = tpu.memref_slice %arg6[%arg0, %dma_start3A_53, %dma_start3A_54] : memref<2x10000x128xf32, #tpu.memory_space<hbm>> -> memref<1x640x128xf32, #tpu.memory_space<hbm>>
        %dma_start3A_56 = tpu.memref_squeeze %dma_start3A_55 : memref<1x640x128xf32, #tpu.memory_space<hbm>> -> memref<640x128xf32, #tpu.memory_space<hbm>>
        %dma_start3A_57 = arith.constant 9360 : i32
        %dma_start3A_58 = arith.constant 0 : i32
        %dma_start3A_59 = tpu.memref_slice %arg16[%dma_start3A_57, %dma_start3A_58] : memref<10000x128xf32, #tpu.memory_space<vmem_shared>> -> memref<640x128xf32, #tpu.memory_space<vmem_shared>>
        tpu.enqueue_dma source(%dma_start3A_59 : memref<640x128xf32, #tpu.memory_space<vmem_shared>>) target(%dma_start3A_56 : memref<640x128xf32, #tpu.memory_space<hbm>>) target_semaphore(%run_scoped3A : memref<!tpu.dma_semaphore, #tpu.memory_space<semaphore_mem>>)
        %dma_wait3A_60 = arith.constant 9360 : i32
        %dma_wait3A_61 = arith.constant 0 : i32
        %dma_wait3A_62 = tpu.memref_slice %arg6[%arg0, %dma_wait3A_60, %dma_wait3A_61] : memref<2x10000x128xf32, #tpu.memory_space<hbm>> -> memref<1x640x128xf32, #tpu.memory_space<hbm>>
        %dma_wait3A_63 = tpu.memref_squeeze %dma_wait3A_62 : memref<1x640x128xf32, #tpu.memory_space<hbm>> -> memref<640x128xf32, #tpu.memory_space<hbm>>
        %dma_wait3A_64 = arith.constant 9360 : i32
        %dma_wait3A_65 = arith.constant 0 : i32
        %dma_wait3A_66 = tpu.memref_slice %arg16[%dma_wait3A_64, %dma_wait3A_65] : memref<10000x128xf32, #tpu.memory_space<vmem_shared>> -> memref<640x128xf32, #tpu.memory_space<vmem_shared>>
        tpu.wait_dma2 semaphore(%run_scoped3A : memref<!tpu.dma_semaphore, #tpu.memory_space<semaphore_mem>>) src(%dma_wait3A_66 : memref<640x128xf32, #tpu.memory_space<vmem_shared>>) dst(%dma_wait3A_63 : memref<640x128xf32, #tpu.memory_space<hbm>>)
        tpu.yield
      }) : () -> ()
    } else {
    }
    return
  }
}

module attributes {stable_mosaic.version = 14 : i64} {
  func.func @_mlp_body(%arg0: i32, %arg1: memref<1000x128xf32, #tpu.memory_space<vmem>>, %arg2: memref<2x1000x128xf32, #tpu.memory_space<vmem>>, %arg3: memref<128x128xf32, #tpu.memory_space<vmem>>, %arg4: memref<1x128xf32, #tpu.memory_space<vmem>>, %arg5: memref<128x128xf32, #tpu.memory_space<vmem>>, %arg6: memref<1x128xf32, #tpu.memory_space<vmem>>, %arg7: memref<1000x128xf32, #tpu.memory_space<vmem>>) attributes {dimension_semantics = [#tpu.dimension_semantics<arbitrary>], iteration_bounds = array<i64: 10>, scalar_prefetch = 0 : i64, scratch_operands = 0 : i64, tpu.core_type = #tpu.core_type<tc>, window_params = [{transform_indices = @transform_0, window_bounds = array<i64: 1000, 128>}, {transform_indices = @transform_1, window_bounds = array<i64: 2, 1000, 128>}, {pipeline_mode = #tpu.pipeline_mode<synchronous>, transform_indices = @transform_2, window_bounds = array<i64: 128, 128>}, {pipeline_mode = #tpu.pipeline_mode<synchronous>, transform_indices = @transform_3, window_bounds = array<i64: 1, 128>}, {pipeline_mode = #tpu.pipeline_mode<synchronous>, transform_indices = @transform_4, window_bounds = array<i64: 128, 128>}, {pipeline_mode = #tpu.pipeline_mode<synchronous>, transform_indices = @transform_5, window_bounds = array<i64: 1, 128>}, {transform_indices = @transform_6, window_bounds = array<i64: 1000, 128>}]} {
    %get3A = arith.constant 0 : index
    %get3A_0 = arith.constant 0 : index
    %get3A_1 = vector.load %arg1[%get3A, %get3A_0] : memref<1000x128xf32, #tpu.memory_space<vmem>>, vector<1000x128xf32>
    %get3A_2 = arith.constant 0 : index
    %get3A_3 = arith.constant 0 : index
    %get3A_4 = arith.constant 0 : index
    %get3A_5 = vector.load %arg2[%get3A_2, %get3A_3, %get3A_4] : memref<2x1000x128xf32, #tpu.memory_space<vmem>>, vector<1x1000x128xf32>
    %get3A_6 = vector.shape_cast %get3A_5 : vector<1x1000x128xf32> to vector<1000x128xf32>
    %add3A = arith.addf %get3A_1, %get3A_6 : vector<1000x128xf32>
    %get3A_7 = arith.constant 1 : index
    %get3A_8 = arith.constant 0 : index
    %get3A_9 = arith.constant 0 : index
    %get3A_10 = vector.load %arg2[%get3A_7, %get3A_8, %get3A_9] : memref<2x1000x128xf32, #tpu.memory_space<vmem>>, vector<1x1000x128xf32>
    %get3A_11 = vector.shape_cast %get3A_10 : vector<1x1000x128xf32> to vector<1000x128xf32>
    %add3A_12 = arith.addf %add3A, %get3A_11 : vector<1000x128xf32>
    %get3A_13 = arith.constant 0 : index
    %get3A_14 = arith.constant 0 : index
    %get3A_15 = vector.load %arg3[%get3A_13, %get3A_14] : memref<128x128xf32, #tpu.memory_space<vmem>>, vector<128x128xf32>
    %dot_general3A = arith.constant dense<0.000000e+00> : vector<1000x128xf32>
    %dot_general3A_16 = tpu.matmul %add3A_12, %get3A_15, %dot_general3A {dimension_numbers = #tpu.dot_dimension_numbers<[1], [0], [0], [1], [0, 0, 1, 1], [], []>, transpose_lhs_hint = false} : vector<1000x128xf32>, vector<128x128xf32>, vector<1000x128xf32> -> vector<1000x128xf32>
    %get3A_17 = arith.constant 0 : index
    %get3A_18 = arith.constant 0 : index
    %get3A_19 = vector.load %arg4[%get3A_17, %get3A_18] : memref<1x128xf32, #tpu.memory_space<vmem>>, vector<1x128xf32>
    %add3A_20 = vector.broadcast %get3A_19 : vector<1x128xf32> to vector<1000x128xf32>
    %add3A_21 = arith.addf %dot_general3A_16, %add3A_20 : vector<1000x128xf32>
    %max3A = arith.constant 0.000000e+00 : f32
    %max3A_22 = vector.broadcast %max3A : f32 to vector<1000x128xf32>
    %max3A_23 = arith.maximumf %add3A_21, %max3A_22 : vector<1000x128xf32>
    %get3A_24 = arith.constant 0 : index
    %get3A_25 = arith.constant 0 : index
    %get3A_26 = vector.load %arg5[%get3A_24, %get3A_25] : memref<128x128xf32, #tpu.memory_space<vmem>>, vector<128x128xf32>
    %dot_general3A_27 = arith.constant dense<0.000000e+00> : vector<1000x128xf32>
    %dot_general3A_28 = tpu.matmul %max3A_23, %get3A_26, %dot_general3A_27 {dimension_numbers = #tpu.dot_dimension_numbers<[1], [0], [0], [1], [0, 0, 1, 1], [], []>, transpose_lhs_hint = false} : vector<1000x128xf32>, vector<128x128xf32>, vector<1000x128xf32> -> vector<1000x128xf32>
    %get3A_29 = arith.constant 0 : index
    %get3A_30 = arith.constant 0 : index
    %get3A_31 = vector.load %arg6[%get3A_29, %get3A_30] : memref<1x128xf32, #tpu.memory_space<vmem>>, vector<1x128xf32>
    %add3A_32 = vector.broadcast %get3A_31 : vector<1x128xf32> to vector<1000x128xf32>
    %add3A_33 = arith.addf %dot_general3A_28, %add3A_32 : vector<1000x128xf32>
    %swap3A = arith.constant 0 : index
    %swap3A_34 = arith.constant 0 : index
    %swap3A_35 = vector.load %arg7[%swap3A, %swap3A_34] : memref<1000x128xf32, #tpu.memory_space<vmem>>, vector<1000x128xf32>
    tpu.vector_store %arg7[%swap3A, %swap3A_34], %add3A_33 {strides = array<i32>} : memref<1000x128xf32, #tpu.memory_space<vmem>>, vector<1000x128xf32>,
    return
  }
  func.func @transform_0(%arg0: i32) -> (i32, i32) {
    %c0_i32 = arith.constant 0 : i32
    %c0_i32_0 = arith.constant 0 : i32
    return %arg0, %c0_i32 : i32, i32
  }
  func.func @transform_1(%arg0: i32) -> (i32, i32, i32) {
    %c0_i32 = arith.constant 0 : i32
    %c0_i32_0 = arith.constant 0 : i32
    %c0_i32_1 = arith.constant 0 : i32
    return %c0_i32, %arg0, %c0_i32_0 : i32, i32, i32
  }
  func.func @transform_2(%arg0: i32) -> (i32, i32) {
    %c0_i32 = arith.constant 0 : i32
    %c0_i32_0 = arith.constant 0 : i32
    %c0_i32_1 = arith.constant 0 : i32
    return %c0_i32, %c0_i32_0 : i32, i32
  }
  func.func @transform_3(%arg0: i32) -> (i32, i32) {
    %c0_i32 = arith.constant 0 : i32
    %c0_i32_0 = arith.constant 0 : i32
    %c0_i32_1 = arith.constant 0 : i32
    return %c0_i32, %c0_i32_0 : i32, i32
  }
  func.func @transform_4(%arg0: i32) -> (i32, i32) {
    %c0_i32 = arith.constant 0 : i32
    %c0_i32_0 = arith.constant 0 : i32
    %c0_i32_1 = arith.constant 0 : i32
    return %c0_i32, %c0_i32_0 : i32, i32
  }
  func.func @transform_5(%arg0: i32) -> (i32, i32) {
    %c0_i32 = arith.constant 0 : i32
    %c0_i32_0 = arith.constant 0 : i32
    %c0_i32_1 = arith.constant 0 : i32
    return %c0_i32, %c0_i32_0 : i32, i32
  }
  func.func @transform_6(%arg0: i32) -> (i32, i32) {
    %c0_i32 = arith.constant 0 : i32
    %c0_i32_0 = arith.constant 0 : i32
    return %arg0, %c0_i32 : i32, i32
  }
}

module attributes {stable_mosaic.version = 14 : i64} {
  func.func @_mlp_body(%arg0: i32, %arg1: memref<1000x128xf32, #tpu.memory_space<vmem>>, %arg2: memref<2x1000x128xf32, #tpu.memory_space<vmem>>, %arg3: memref<128x128xf32, #tpu.memory_space<vmem>>, %arg4: memref<1x128xf32, #tpu.memory_space<vmem>>, %arg5: memref<128x128xf32, #tpu.memory_space<vmem>>, %arg6: memref<1x128xf32, #tpu.memory_space<vmem>>, %arg7: memref<1000x128xf32, #tpu.memory_space<vmem>>) attributes {dimension_semantics = [#tpu.dimension_semantics<arbitrary>], iteration_bounds = array<i64: 10>, scalar_prefetch = 0 : i64, scratch_operands = 0 : i64, tpu.core_type = #tpu.core_type<tc>, window_params = [{transform_indices = @transform_0, window_bounds = array<i64: 1000, 128>}, {transform_indices = @transform_1, window_bounds = array<i64: 2, 1000, 128>}, {pipeline_mode = #tpu.pipeline_mode<synchronous>, transform_indices = @transform_2, window_bounds = array<i64: 128, 128>}, {pipeline_mode = #tpu.pipeline_mode<synchronous>, transform_indices = @transform_3, window_bounds = array<i64: 1, 128>}, {pipeline_mode = #tpu.pipeline_mode<synchronous>, transform_indices = @transform_4, window_bounds = array<i64: 128, 128>}, {pipeline_mode = #tpu.pipeline_mode<synchronous>, transform_indices = @transform_5, window_bounds = array<i64: 1, 128>}, {transform_indices = @transform_6, window_bounds = array<i64: 1000, 128>}]} {
    %get3A = arith.constant 0 : index
    %get3A_0 = arith.constant 0 : index
    %get3A_1 = vector.load %arg1[%get3A, %get3A_0] : memref<1000x128xf32, #tpu.memory_space<vmem>>, vector<1000x128xf32>
    %get3A_2 = arith.constant 0 : index
    %get3A_3 = arith.constant 0 : index
    %get3A_4 = arith.constant 0 : index
    %get3A_5 = vector.load %arg2[%get3A_2, %get3A_3, %get3A_4] : memref<2x1000x128xf32, #tpu.memory_space<vmem>>, vector<1x1000x128xf32>
    %get3A_6 = vector.shape_cast %get3A_5 : vector<1x1000x128xf32> to vector<1000x128xf32>
    %add3A = arith.addf %get3A_1, %get3A_6 : vector<1000x128xf32>
    %get3A_7 = arith.constant 1 : index
    %get3A_8 = arith.constant 0 : index
    %get3A_9 = arith.constant 0 : index
    %get3A_10 = vector.load %arg2[%get3A_7, %get3A_8, %get3A_9] : memref<2x1000x128xf32, #tpu.memory_space<vmem>>, vector<1x1000x128xf32>
    %get3A_11 = vector.shape_cast %get3A_10 : vector<1x1000x128xf32> to vector<1000x128xf32>
    %add3A_12 = arith.addf %add3A, %get3A_11 : vector<1000x128xf32>
    %get3A_13 = arith.constant 0 : index
    %get3A_14 = arith.constant 0 : index
    %get3A_15 = vector.load %arg3[%get3A_13, %get3A_14] : memref<128x128xf32, #tpu.memory_space<vmem>>, vector<128x128xf32>
    %dot_general3A = arith.constant dense<0.000000e+00> : vector<1000x128xf32>
    %dot_general3A_16 = tpu.matmul %add3A_12, %get3A_15, %dot_general3A {dimension_numbers = #tpu.dot_dimension_numbers<[1], [0], [0], [1], [0, 0, 1, 1], [], []>, transpose_lhs_hint = false} : vector<1000x128xf32>, vector<128x128xf32>, vector<1000x128xf32> -> vector<1000x128xf32>
    %get3A_17 = arith.constant 0 : index
    %get3A_18 = arith.constant 0 : index
    %get3A_19 = vector.load %arg4[%get3A_17, %get3A_18] : memref<1x128xf32, #tpu.memory_space<vmem>>, vector<1x128xf32>
    %add3A_20 = vector.broadcast %get3A_19 : vector<1x128xf32> to vector<1000x128xf32>
    %add3A_21 = arith.addf %dot_general3A_16, %add3A_20 : vector<1000x128xf32>
    %max3A = arith.constant 0.000000e+00 : f32
    %max3A_22 = vector.broadcast %max3A : f32 to vector<1000x128xf32>
    %max3A_23 = arith.maximumf %add3A_21, %max3A_22 : vector<1000x128xf32>
    %get3A_24 = arith.constant 0 : index
    %get3A_25 = arith.constant 0 : index
    %get3A_26 = vector.load %arg5[%get3A_24, %get3A_25] : memref<128x128xf32, #tpu.memory_space<vmem>>, vector<128x128xf32>
    %dot_general3A_27 = arith.constant dense<0.000000e+00> : vector<1000x128xf32>
    %dot_general3A_28 = tpu.matmul %max3A_23, %get3A_26, %dot_general3A_27 {dimension_numbers = #tpu.dot_dimension_numbers<[1], [0], [0], [1], [0, 0, 1, 1], [], []>, transpose_lhs_hint = false} : vector<1000x128xf32>, vector<128x128xf32>, vector<1000x128xf32> -> vector<1000x128xf32>
    %get3A_29 = arith.constant 0 : index
    %get3A_30 = arith.constant 0 : index
    %get3A_31 = vector.load %arg6[%get3A_29, %get3A_30] : memref<1x128xf32, #tpu.memory_space<vmem>>, vector<1x128xf32>
    %add3A_32 = vector.broadcast %get3A_31 : vector<1x128xf32> to vector<1000x128xf32>
    %add3A_33 = arith.addf %dot_general3A_28, %add3A_32 : vector<1000x128xf32>
    %swap3A = arith.constant 0 : index
    %swap3A_34 = arith.constant 0 : index
    %swap3A_35 = vector.load %arg7[%swap3A, %swap3A_34] : memref<1000x128xf32, #tpu.memory_space<vmem>>, vector<1000x128xf32>
    tpu.vector_store %arg7[%swap3A, %swap3A_34], %add3A_33 {strides = array<i32>} : memref<1000x128xf32, #tpu.memory_space<vmem>>, vector<1000x128xf32>,
    return
  }
  func.func @transform_0(%arg0: i32) -> (i32, i32) {
    %c0_i32 = arith.constant 0 : i32
    %c0_i32_0 = arith.constant 0 : i32
    return %arg0, %c0_i32 : i32, i32
  }
  func.func @transform_1(%arg0: i32) -> (i32, i32, i32) {
    %c0_i32 = arith.constant 0 : i32
    %c0_i32_0 = arith.constant 0 : i32
    %c0_i32_1 = arith.constant 0 : i32
    return %c0_i32, %arg0, %c0_i32_0 : i32, i32, i32
  }
  func.func @transform_2(%arg0: i32) -> (i32, i32) {
    %c0_i32 = arith.constant 0 : i32
    %c0_i32_0 = arith.constant 0 : i32
    %c0_i32_1 = arith.constant 0 : i32
    return %c0_i32, %c0_i32_0 : i32, i32
  }
  func.func @transform_3(%arg0: i32) -> (i32, i32) {
    %c0_i32 = arith.constant 0 : i32
    %c0_i32_0 = arith.constant 0 : i32
    %c0_i32_1 = arith.constant 0 : i32
    return %c0_i32, %c0_i32_0 : i32, i32
  }
  func.func @transform_4(%arg0: i32) -> (i32, i32) {
    %c0_i32 = arith.constant 0 : i32
    %c0_i32_0 = arith.constant 0 : i32
    %c0_i32_1 = arith.constant 0 : i32
    return %c0_i32, %c0_i32_0 : i32, i32
  }
  func.func @transform_5(%arg0: i32) -> (i32, i32) {
    %c0_i32 = arith.constant 0 : i32
    %c0_i32_0 = arith.constant 0 : i32
    %c0_i32_1 = arith.constant 0 : i32
    return %c0_i32, %c0_i32_0 : i32, i32
  }
  func.func @transform_6(%arg0: i32) -> (i32, i32) {
    %c0_i32 = arith.constant 0 : i32
    %c0_i32_0 = arith.constant 0 : i32
    return %arg0, %c0_i32 : i32, i32
  }
}

</mosaic_0001>

<sc_bundles>
// kernel: kernel.6.cloned.1.call-start
scs
__scs_entry_jumppad:
0x0: {  	(pc) =	sbr.rel $0x88, $3  }
0x1: {  	(tag) =	ssettag $0x0;
	lr =	simm.s32 $0x1  }
0x2: {  	[smem:$0x3F97] =	sst lr;
	_ =	strace $0xD0000000  }
0x3: {  	_ = 	snop  }
0x4: {  	_ = 	snop  }
0x5: {  	_ = 	snop  }
0x6: {  	_ = 	snop  }
0x7: {  	_ = 	snop  }
__scs_overlays_trampoline_lowered:
0x8: {  	[smem:$0x3FA6] =	sst s0  }
0x9: {  	[smem:$0x3FA7] =	sst s1  }
0xa: {  	[smem:$0x3FA8] =	sst s2  }
0xb: {  	[smem:$0x3FA9] =	sst s3  }
0xc: {  	[smem:$0x3FAA] =	sst s4  }
0xd: {  	[smem:$0x3FAB] =	sst s5  }
0xe: {  	[smem:$0x3FAC] =	sst s6  }
0xf: {  	[smem:$0x3FAD] =	sst s7  }
0x10: {  	[smem:$0x3FAE] =	sst s8  }
0x11: {  	[smem:$0x3FAF] =	sst s9;
	s0 =	simm.s32 @!p0 $0x0  }
0x12: {  	s1 =	sld [smem:$0x3F95];
	s0 =	simm.s32 @p0 $0x1  }
0x13: {  	[smem:$0x3FB0] =	sst s0;
	s0 =	simm.s32 @!p1 $0x0  }
0x14: {  	s2 =	sld [smem:$0x3F94];
	s0 =	simm.s32 @p1 $0x1  }
0x15: {  	[smem:$0x3FB1] =	sst s0;
	s0 =	simm.s32 @!p2 $0x0  }
0x16: {  	s3 =	sld [smem:$0x3FDB];
	s0 =	simm.s32 @p2 $0x1  }
0x17: {  	s4 =	simm.s32 $0x1BF5;
	[smem:$0x3FB3] =	sst s0  }
0x18: {  	s0 =	sld [smem:$0x3F96];
	_ =	swait.ge [sflag:s4], $0x0  }
0x19: {  	s7 =	sld [smem:$0x3F97]  }
0x1a: {  	s8 =	sadd.s32 $0xFFFFE003, lr  }
0x1b: {  	s9 =	sadd.s32 $0xFFFFFEF7, lr;
	s5 =	simm.s32 $0xFFFFFFFF;
	p2 =	slt.u32 s8, $0xFFFFF086  }
0x1c: {  	p1 =	slt.u32 s9, $0xF7A;
	s5 =	simm.s32 @!p2 $0x0  }
0x1d: {  	s5 =	simm.s32 @p1 $0x1;
	p0 =	seq.s32 s7, s2  }
0x1e: {  	s7 =	smul.u32 @!p0 $0xF7A, s2;
	p2 =	seq.s32 @!p0 s5, $0x0  }
0x1f: {  	s9 =	smul.u32 $0xF7A, s1;
	s8 =	simm.s32 @!p0 $0x1BF5;
	p2 =	por !p2, p0  }
0x20: {  	[sflag:s8] =	ssyncset.s32 @!p0 $0xFFFFF086;
	s6 =	sadd.s32 @!p0 s3, s7;
	s7 =	simm.s32 @!p0 $0x108  }
0x21: {  	s3 =	sadd.s32 s3, s9;
	s6 =	sadd.s32 @!p0 $0x88, s6;
	s7 =	simm.s32 @p2 $0x1082  }
0x22: {  	[simem:s7], [sflag:s8] =	dma.local @!p0 [hbm:s6], $0xF7A  }
0x23: {  	s9 =	sor.u32 $0xD0000000, s2;
	s6 =	simm.s32 $0x108;
	_ =	swait.ge @!p0 [sflag:s8], $0x0  }
0x24: {  	s3 =	sadd.s32 $0x88, s3;
	s6 =	simm.s32 @!p1 $0x1082;
	[sflag:s4] =	ssyncset.s32 $0xFFFFF086  }
0x25: {  	[simem:s6], [sflag:s4] =	dma.local [hbm:s3], $0xF7A  }
0x26: {  	[smem:$0x3F97] =	sst s1;
	(tag) =	ssettag s2;
	_ =	strace s9  }
0x27: {  	s1 =	sld [smem:$0x3FA7]  }
0x28: {  	s2 =	sld [smem:$0x3FA8]  }
0x29: {  	s4 =	sld [smem:$0x3FAA]  }
0x2a: {  	p0 =	seq.s32 s5, $0x0;
	s5 =	sld [smem:$0x3FAB]  }
0x2b: {  	s6 =	sld [smem:$0x3FAC]  }
0x2c: {  	s7 =	sld [smem:$0x3FAD]  }
0x2d: {  	s3 =	simm.s32 $0x108;
	s8 =	sld [smem:$0x3FAE]  }
0x2e: {  	s3 =	simm.s32 @!p0 $0x1082;
	s9 =	sld [smem:$0x3FAF]  }
0x2f: {  	lr =	sadd.s32 s0, s3;
	s0 =	sld [smem:$0x3FA6]  }
0x30: {  	s3 =	sld [smem:$0x3FA9]  }
0x31: {  	[smem:$0x3FB2] =	sst s10  }
0x32: {  	s10 =	sld [smem:$0x3FB0];
	_ =	sdelay $0x3  }
0x33: {  	p0 =	seq.s32 s10, $0x1;
	s10 =	sld [smem:$0x3FB2];
	_ =	sdelay $0x3  }
0x34: {  	[smem:$0x3FB2] =	sst s10  }
0x35: {  	s10 =	sld [smem:$0x3FB1];
	_ =	sdelay $0x3  }
0x36: {  	p1 =	seq.s32 s10, $0x1;
	s10 =	sld [smem:$0x3FB2];
	_ =	sdelay $0x3  }
0x37: {  	[smem:$0x3FB2] =	sst s10  }
0x38: {  	s10 =	sld [smem:$0x3FB3]  }
0x39: {  	_ = 	snop;
	(pc) =	sbr.ind lr, $3  }
0x3a: {  	_ = 	snop  }
0x3b: {  	_ = 	snop  }
0x3c: {  	p2 =	seq.s32 s10, $0x1;
	s10 =	sld [smem:$0x3FB2]  }
0x3d: {  	_ =	shalt  }
0x3e: {  	_ =	shalt  }
0x3f: {  	_ =	shalt  }
0x40: {  	_ =	shalt  }
0x41: {  	_ =	shalt  }
0x42: {  	_ =	shalt  }
0x43: {  	_ =	shalt  }
0x44: {  	_ =	shalt  }
0x45: {  	_ =	shalt  }
0x46: {  	_ =	shalt  }
0x47: {  	_ =	shalt  }
0x48: {  	_ =	shalt  }
0x49: {  	_ =	shalt  }
0x4a: {  	_ =	shalt  }
0x4b: {  	_ =	shalt  }
0x4c: {  	_ =	shalt  }
0x4d: {  	_ =	shalt  }
0x4e: {  	_ =	shalt  }
0x4f: {  	_ =	shalt  }
0x50: {  	_ =	shalt  }
0x51: {  	_ =	shalt  }
0x52: {  	_ =	shalt  }
0x53: {  	_ =	shalt  }
0x54: {  	_ =	shalt  }
0x55: {  	_ =	shalt  }
0x56: {  	_ =	shalt  }
0x57: {  	_ =	shalt  }
0x58: {  	_ =	shalt  }
0x59: {  	_ =	shalt  }
0x5a: {  	_ =	shalt  }
0x5b: {  	_ =	shalt  }
0x5c: {  	_ =	shalt  }
0x5d: {  	_ =	shalt  }
0x5e: {  	_ =	shalt  }
0x5f: {  	_ =	shalt  }
0x60: {  	_ =	shalt  }
0x61: {  	_ =	shalt  }
0x62: {  	_ =	shalt  }
0x63: {  	_ =	shalt  }
0x64: {  	_ =	shalt  }
0x65: {  	_ =	shalt  }
0x66: {  	_ =	shalt  }
0x67: {  	_ =	shalt  }
0x68: {  	_ =	shalt  }
0x69: {  	_ =	shalt  }
0x6a: {  	_ =	shalt  }
0x6b: {  	_ =	shalt  }
0x6c: {  	_ =	shalt  }
0x6d: {  	_ =	shalt  }
0x6e: {  	_ =	shalt  }
0x6f: {  	_ =	shalt  }
0x70: {  	_ =	shalt  }
0x71: {  	_ =	shalt  }
0x72: {  	_ =	shalt  }
0x73: {  	_ =	shalt  }
0x74: {  	_ =	shalt  }
0x75: {  	_ =	shalt  }
0x76: {  	_ =	shalt  }
0x77: {  	_ =	shalt  }
0x78: {  	_ =	shalt  }
0x79: {  	_ =	shalt  }
0x7a: {  	_ =	shalt  }
0x7b: {  	_ =	shalt  }
0x7c: {  	_ =	shalt  }
0x7d: {  	_ =	shalt  }
0x7e: {  	_ =	shalt  }
0x7f: {  	_ =	shalt  }
0x80: {  	_ =	shalt  }
0x81: {  	_ =	shalt  }
0x82: {  	_ =	shalt  }
0x83: {  	_ =	shalt  }
0x84: {  	_ =	shalt  }
0x85: {  	_ =	shalt  }
0x86: {  	_ =	shalt  }
0x87: {  	_ =	shalt  }
.Lfunc_end0:
.L_simem_size_0:
called_computation_lowered:
.L_overlay_start_0:
0x88: {  	s2 =	sld [smem:$0x3FD9]  }
0x89: {  	s3 =	sld [smem:$0x3FFE];
	_ =	sdelay $0x1  }
0x8a: {  	s1 =	srdreg.scid  }
0x8b: {  	s0 =	sand.u32 $0x1, s1  }
0x8c: {  	s17 =	sshll.u32 s0, $0xA;
	s2 =	sadd.s32 s3, s2  }
0x8d: {  	s2 =	sadd.s32 s2, s17  }
0x8e: {  	[smem:$0x3FBE] =	sst s2  }
0x8f: {  	_ = 	snop  }
0x90: {  	s2 =	sld [smem:$0x3FC9]  }
0x91: {  	s18 =	sld [smem:$0x3FD0];
	(tm) =	ssettm $0x1  }
0x92: {  	s4 =	sld [smem:$0x3FFB];
	_ =	sdelay $0x3  }
0x93: {  	_ =	strace s4  }
0x94: {  	s4 =	sld [smem:$0x3FFC];
	_ =	sdelay $0x3  }
0x95: {  	_ =	strace s4  }
0x96: {  	s4 =	sld [smem:$0x3FFD];
	_ =	sdelay $0x3  }
0x97: {  	_ =	strace s4  }
0x98: {  	_ =	strace $0x8FFFFFFF  }
0x99: {  	s19 =	sld [smem:$0x3FDB];
	_ =	sdelay $0x1  }
0x9a: {  	s5 =	simm.s32 $_scs_section_size  }
0x9b: {  	s6 =	simm.s32 $_size__tile_overlayer_lowered;
	s7 =	simm.s32 $_tile_overlayer_lowered  }
0x9c: {  	s22 =	simm.s32 $0x1BFF;
	s21 =	sshll.u32 s7, $0x1;
	s4 =	sadd.s32 s5, s19  }
0x9d: {  	s8 =	simm.s32 $0x0;
	s20 =	sshll.u32 s6, $0x1;
	s6 =	sadd.s32 s21, s4  }
0x9e: {  	[timem:s8], [sflag:s22] =	dma.local [hbm:s6], s20  }
0x9f: {  	_ =	swait.ge [sflag:s22], s20  }
0xa0: {  	s5 =	ssub.s32 $0x0, s20;
	[sflag:s22] =	ssyncset.done $0x0  }
0xa1: {  	[sflag:s22] =	ssyncadd.s32 s5;
	_ =	sdelay $0x1  }
0xa2: {  	s23 =	simm.s32 $0x1B8B  }
0xa3: {  	_ =	swait.ge [sflag:s23], $0x1  }
0xa4: {  	[sflag:s23] =	ssyncset.done $0x0  }
0xa5: {  	s25 =	simm.s32 $0x1B8E;
	s24 =	sld [smem:$0x3FFE];
	[sflag:s23] =	ssyncadd.s32 $0xFFFFFFFF  }
0xa6: {  	s26 =	simm.s32 $execute0_lowered;
	[smem:$0x3FD2] =	sst s25  }
0xa7: {  	s6 =	sshll.u32 s26, $0x1;
	_ =	strace $0x80000046;
	[dreg:$0x1] =	wrdreg $0xFFFFFFFF  }
0xa8: {  	s28 =	simm.s32 $_size_execute0_lowered;
	s4 =	sadd.s32 s4, s6;
	[dreg:$0x0] =	wrdreg $0x0  }
0xa9: {  	s6 =	sshll.u32 s28, $0x1;
	[dreg:$0x2] =	wrdreg s4  }
0xaa: {  	[dreg:$0x3] =	wrdreg s6  }
0xab: {  	[dreg:$0x4] =	wrdreg $0xC0  }
0xac: {  	_ =	task [dreg:s8], $0x5FFFF  }
0xad: {  	[dreg:$0x1] =	wrdreg $0xFFFFFFFF  }
0xae: {  	[dreg:$0x0] =	wrdreg $0x60  }
0xaf: {  	[dreg:$0x2] =	wrdreg s2  }
0xb0: {  	[dreg:$0x3] =	wrdreg s24  }
0xb1: {  	[dreg:$0x4] =	wrdreg s18  }
0xb2: {  	[dreg:$0x5] =	wrdreg $0x8B000  }
0xb3: {  	[dreg:$0x6] =	wrdreg $0x9  }
0xb4: {  	_ =	task.clear_ibuf [dreg:s8], $0x7FFFF;
	_ =	strace $0x90000046  }
0xb5: {  	s29 =	simm.s32 $0x9;
	_ =	strace $0x80000048  }
0xb6: {  	_ =	swait.ge [sflag:s29], $0x1  }
0xb7: {  	[sflag:s29] =	ssyncadd.s32 $0xFFFFFFFF  }
0xb8: {  	_ =	strace $0x90000048  }
0xb9: {  	_ =	sfence  }
0xba: {  	s30 =	sld [smem:$0x0];
	_ =	sdelay $0x2  }
0xbb: {  	s31 =	sshll.u32 s1, $0xD;
	s1 =	sshrl.u32 s1, $0x2  }
0xbc: {  	s3 =	sand.u32 $0x4000, s31;
	s1 =	sadd.s32 s1, s30  }
0xbd: {  	s0 =	sor.u32 s3, s0;
	s1 =	sshll.u32 s1, $0x11  }
0xbe: {  	s0 =	sor.u32 s1, s0  }
0xbf: {  	s0 =	sadd.s32 $0x8F2B, s0  }
0xc0: {  	[sflag:s0] =	ssyncadd.remote.s32 $0x1  }
0xc1: {  	_ =	sfence.sel $0xFFFF  }
0xc2: {  	[dreg:$0x0] =	wrdreg $0xFFFFFFFF;
	(pc) =	sbr.abs _section_cstart, $3  }
0xc3: {  	[dreg:$0x1] =	wrdreg $0xFFFFFFFF  }
0xc4: {  	_ =	task.clear_ibuf [dreg:s8], $0x2FFFF;
	_ =	strace $0x9FFFFFFF  }
0xc5: {  	(tm) =	ssettm $0x7FFFFFFF  }
tec
execute0_lowered:
.L_overlay_start_1:
0x0: {  	(tag) =	ssettag $0x1  }
0x1: {  	s1 =	rddreg [dreg:$0x0]  }
0x2: {  	s0 =	rddreg [dreg:$0x1]  }
0x3: {  	s2 =	rddreg [dreg:$0x2]  }
0x4: {  	s3 =	rddreg [dreg:$0x3]  }
0x5: {  	s5 =	srdreg.scid;
	s15 =	stileid.u32  }
0x6: {  	s4 =	simm.s32 $0x0;
	s28 =	simm.s32 $0x200;
	s29 =	simm.s32 $0x3  }
0x7: {  	s30 =	simm.s32 $0x2;
	s31 =	simm.s32 $0x4200;
	s11 =	smul.u32 $0x4E000, s15  }
0x8: {  	s7 =	sand.u32 $0x1, s5;
	s24 =	sshll.u32 s15, $0x1;
	s26 =	smul.u32 $0x2700, s15  }
0x9: {  	[smem:$0x7FF] =	sst s4;
	s5 =	sadd.s32 $0xBE00, s0;
	s17 =	smul.u32 $0x13800, s15  }
0xa: {  	s18 =	smul.u32 $0x4E20, s15;
	s19 =	sadd.s32 $0x124800, s3;
	p0 =	seq.s32 s15, $0xF  }
0xb: {  	s6 =	sor.u32 s7, s24;
	_ =	strace $0x80000047;
	s13 =	smul.u32 $0x138800, s7  }
0xc: {  	s9 =	ssub.s32 $0x2, s7;
	s7 =	smul.u32 $0x2710, s7;
	[dreg:$0xb] =	wrdreg s19  }
0xd: {  	s8 =	smul.u32 $0x2710, s6;
	s6 =	sadd.s32 $0x2000, s0;
	s10 =	sshrl.u32 s9, $0x1  }
0xe: {  	s0 =	sadd.s32 $0x15C00, s0;
	s11 =	sshrl.u32 s11, $0x2;
	s9 =	ssub.s32 s9, s10  }
0xf: {  	s11 =	sadd.s32 s11, s3;
	s10 =	sadd.s32 s2, s26;
	s2 =	sadd.s32 $0x24900, s2  }
0x10: {  	s22 =	sadd.s32 s17, s13;
	s7 =	sadd.s32 s7, s18;
	[dreg:$0x9] =	wrdreg s11  }
0x11: {  	s23 =	sshrl.u32 s13, $0x3;
	s8 =	sshrl.u32 s8, $0x3;
	[dreg:$0xa] =	wrdreg s10  }
0x12: {  	[dreg:$0xc] =	wrdreg s2;
	s2 =	sshrl.u32 s22, $0x3;
	s24 =	sadd.s32 $0x180, s7  }
0x13: {  	s26 =	smax.u32 s9, $0x1;
	s22 =	sadd.s32 $0x100, s7;
	s7 =	simm.s32 $0x8200  }
0x14: {  	s9 =	simm.s32 $0x10;
	s10 =	simm.s32 $0x8300;
	s11 =	simm.s32 $0x0  }
0x15: {  	s25 =	sadd.s32 s5, s8;
	s12 =	sadd.s32 s6, s8;
	[dreg:$0x11] =	wrdreg s26  }
0x16: {  	s16 =	sadd.s32 $0x10, s8;
	s8 =	sadd.s32 $0x4E0, s8;
	[dreg:$0x5] =	wrdreg s25  }
0x17: {  	s2 =	sadd.s32 s0, s2;
	s0 =	sadd.s32 s0, s23;
	[dreg:$0x6] =	wrdreg s12  }
0x18: {  	s23 =	simm.s32 $0x100;
	s14 =	sadd.s32 s5, s16;
	[dreg:$0xf] =	wrdreg s2  }
0x19: {  	s26 =	simm.s32 $0x1;
	s12 =	sadd.s32 s6, s16;
	[dreg:$0x7] =	wrdreg s14  }
0x1a: {  	s20 =	sadd.s32 s5, s8;
	s21 =	sadd.s32 s6, s8;
	[dreg:$0x8] =	wrdreg s12  }
0x1b: {  	s25 =	sshrl.u32 s24, $0x3;
	s0 =	sadd.s32 $0x24900, s0;
	[dreg:$0xd] =	wrdreg s20  }
0x1c: {  	s24 =	simm.s32 $0x80;
	s2 =	simm.s32 $0x4;
	[dreg:$0xe] =	wrdreg s21  }
0x1d: {  	s8 =	simm.s32 $0x8280;
	[dreg:$0x10] =	wrdreg s0;
	s20 =	sadd.s32 s25, s6  }
0x1e: {  	s21 =	sadd.s32 s25, s5;
	s25 =	simm.s32 $0x180;
	s0 =	simm.s32 $0x5  }
.LBB2_1:
0x1f: {  	s12 =	rddreg [dreg:$0x5]  }
0x20: {  	s15 =	rddreg [dreg:$0x6]  }
0x21: {  	s16 =	rddreg [dreg:$0x7]  }
0x22: {  	[tilespmem:s4], [sflag:$0x1] =	stream.linear.gather [hbm4b:s12+s4], $0x80, $0x38;
	[tilespmem:$0x1C380] =	vst v63  }
0x23: {  	s17 =	rddreg [dreg:$0x8]  }
0x24: {  	[tilespmem:s23], [sflag:$0x1] =	stream.linear.gather [hbm4b:s15+s4], $0x80, $0x38;
	[tilespmem:$0x1C380] =	vst v63  }
0x25: {  	s12 =	rddreg [dreg:$0xb]  }
0x26: {  	[tilespmem:s24], [sflag:$0x2] =	stream.linear.gather [hbm4b:s16+s4], $0x80, $0x38;
	[tilespmem:$0x1C380] =	vst v63  }
0x27: {  	s13 =	simm.s32 @p0 $0x1FC5;
	s14 =	rddreg [dreg:$0xc];
	s12 =	sshrl.u32 @p0 s12, $0x3  }
0x28: {  	[tilespmem:s25], [sflag:$0x2] =	stream.linear.gather [hbm4b:s17+s4], $0x80, $0x38;
	[tilespmem:$0x1C380] =	vst v63  }
0x29: {  	[spmem:s12], [sflag:s13] =	dma.local @p0 [hbm:s14], $0x2800  }
0x2a: {  	s13 =	simm.s32 @p0 $0x5  }
0x2b: {  	s14 =	stileid.u32;
	_ =	swait.ge @p0 [sflag:s13], $0x2800  }
0x2c: {  	s14 =	sshll.u32 @!p0 s14, $0x6;
	[sflag:s13] =	ssyncset.done @p0 $0x0  }
0x2d: {  	[sflag:s13] =	ssyncadd.s32 @p0 $0xFFFFD800;
	s13 =	sor.u32 @!p0 $0x1C05, s14;
	s14 =	rddreg [dreg:$0x9]  }
0x2e: {  	s15 =	rddreg [dreg:$0xa];
	s14 =	sshrl.u32 @!p0 s14, $0x3  }
0x2f: {  	[spmem:s14], [sflag:s13] =	dma.local @!p0 [hbm:s15], $0x2700  }
0x30: {  	s15 =	simm.s32 @!p0 $0x5  }
0x31: {  	_ =	swait.ge @!p0 [sflag:s15], $0x2700  }
0x32: {  	[sflag:s15] =	ssyncset.done @!p0 $0x0  }
0x33: {  	[sflag:s15] =	ssyncadd.s32 @!p0 $0xFFFFD900  }
0x34: {  	[bflag:$0x0] =	sbarrier.arrive $0xFFFF  }
0x35: {  	_ =	swait.ge [sflag:s26], $0x80  }
0x36: {  	[sflag:s26] =	ssyncset.done $0x0  }
0x37: {  	[sflag:s26] =	ssyncadd.s32 $0xFFFFFF80  }
0x38: {  	_ =	swait.ge [sflag:s26], $0x80  }
0x39: {  	[sflag:s26] =	ssyncset.done $0x0  }
0x3a: {  	[sflag:s26] =	ssyncadd.s32 $0xFFFFFF80  }
0x3b: {  	[tilespmem:s28], [sflag:$0x3] =	stream.indirect.gather [hbm4b:s1+s24], $0x80, s4, s24, $0xb8;
	[tilespmem:$0x1C380] =	vst v63  }
0x3c: {  	_ =	swait.ge [sflag:s29], $0x4000  }
0x3d: {  	[sflag:s29] =	ssyncset.done $0x0  }
0x3e: {  	[sflag:s29] =	ssyncadd.s32 $0xFFFFC000  }
0x3f: {  	_ =	swait.ge [sflag:s30], $0x80  }
0x40: {  	[sflag:s30] =	ssyncset.done $0x0  }
0x41: {  	[sflag:s30] =	ssyncadd.s32 $0xFFFFFF80  }
0x42: {  	_ =	swait.ge [sflag:s30], $0x80  }
0x43: {  	[sflag:s30] =	ssyncset.done $0x0  }
0x44: {  	[sflag:s30] =	ssyncadd.s32 $0xFFFFFF80  }
0x45: {  	[tilespmem:s31], [sflag:$0x4] =	stream.indirect.gather [hbm4b:s1+s24], $0x80, s24, s24, $0xb8;
	[tilespmem:$0x1C380] =	vst v63  }
0x46: {  	_ = 	snop  }
0x47: {  	[spmem:s3] =	stream.indirect.scatter.add.f32 [tilespmem:s28], [sflag:$0x5], $0x80, s23, s24, $0xb8;
	[tilespmem:$0x1C380] =	vst v63  }
0x48: {  	_ =	swait.ge [sflag:s0], $0x4000  }
0x49: {  	s18 =	sshrl.u32 s22, $0x3;
	[sflag:s0] =	ssyncset.done $0x0  }
0x4a: {  	s16 =	sadd.s32 s5, s18;
	[sflag:s0] =	ssyncadd.s32 $0xFFFFC000  }
0x4b: {  	[tilespmem:s4], [sflag:$0x1] =	stream.linear.gather [hbm4b:s16+s4], $0x80, $0x38;
	[tilespmem:$0x1C380] =	vst v63  }
0x4c: {  	s15 =	sadd.s32 s6, s18  }
0x4d: {  	[tilespmem:s23], [sflag:$0x1] =	stream.linear.gather [hbm4b:s15+s4], $0x80, $0x38;
	[tilespmem:$0x1C380] =	vst v63  }
0x4e: {  	_ =	swait.ge [sflag:s2], $0x4000  }
0x4f: {  	[sflag:s2] =	ssyncset.done $0x0  }
0x50: {  	[sflag:s2] =	ssyncadd.s32 $0xFFFFC000  }
0x51: {  	_ =	swait.ge [sflag:s26], $0x80  }
0x52: {  	[sflag:s26] =	ssyncset.done $0x0  }
0x53: {  	[sflag:s26] =	ssyncadd.s32 $0xFFFFFF80  }
0x54: {  	_ =	swait.ge [sflag:s26], $0x80  }
0x55: {  	[sflag:s26] =	ssyncset.done $0x0  }
0x56: {  	[sflag:s26] =	ssyncadd.s32 $0xFFFFFF80  }
0x57: {  	[tilespmem:s28], [sflag:$0x3] =	stream.indirect.gather [hbm4b:s1+s24], $0x80, s4, s24, $0xb8;
	[tilespmem:$0x1C380] =	vst v63  }
0x58: {  	_ = 	snop  }
0x59: {  	[spmem:s3] =	stream.indirect.scatter.add.f32 [tilespmem:s31], [sflag:$0x5], $0x80, s25, s24, $0xb8;
	[tilespmem:$0x1C380] =	vst v63  }
0x5a: {  	_ =	swait.ge [sflag:s0], $0x4000  }
0x5b: {  	s19 =	sadd.s32 $0x0, s21;
	s17 =	sadd.s32 $0x0, s20;
	[sflag:s0] =	ssyncset.done $0x0  }
0x5c: {  	s16 =	sadd.s32 $0x100, s22;
	s15 =	simm.s32 $0x20;
	[sflag:s0] =	ssyncadd.s32 $0xFFFFC000  }
0x5d: {  	[tilespmem:s24], [sflag:$0x2] =	stream.linear.gather [hbm4b:s19+s4], $0x80, $0x38;
	[tilespmem:$0x1C380] =	vst v63  }
.LBB2_2:
0x5e: {  	[tilespmem:s25], [sflag:$0x2] =	stream.linear.gather [hbm4b:s17+s4], $0x80, $0x38;
	[tilespmem:$0x1C380] =	vst v63  }
0x5f: {  	s17 =	smov.u32 s15  }
0x60: {  	p1 =	sne.s32 s15, $0x4A0;
	s15 =	sadd.s32 $0x20, s15;
	_ =	swait.ge [sflag:s29], $0x4000  }
0x61: {  	[sflag:s29] =	ssyncset.done $0x0  }
0x62: {  	[sflag:s29] =	ssyncadd.s32 $0xFFFFC000  }
0x63: {  	_ =	swait.ge [sflag:s30], $0x80  }
0x64: {  	[sflag:s30] =	ssyncset.done $0x0  }
0x65: {  	[sflag:s30] =	ssyncadd.s32 $0xFFFFFF80  }
0x66: {  	_ =	swait.ge [sflag:s30], $0x80  }
0x67: {  	[sflag:s30] =	ssyncset.done $0x0  }
0x68: {  	[sflag:s30] =	ssyncadd.s32 $0xFFFFFF80  }
0x69: {  	[tilespmem:s31], [sflag:$0x4] =	stream.indirect.gather [hbm4b:s1+s24], $0x80, s24, s24, $0xb8;
	[tilespmem:$0x1C380] =	vst v63  }
0x6a: {  	_ = 	snop  }
0x6b: {  	[spmem:s3] =	stream.indirect.scatter.add.f32 [tilespmem:s28], [sflag:$0x5], $0x80, s23, s24, $0xb8;
	[tilespmem:$0x1C380] =	vst v63  }
0x6c: {  	_ =	swait.ge [sflag:s0], $0x4000  }
0x6d: {  	s18 =	sshrl.u32 s16, $0x3;
	[sflag:s0] =	ssyncset.done $0x0  }
0x6e: {  	s19 =	sadd.s32 s5, s18;
	[sflag:s0] =	ssyncadd.s32 $0xFFFFC000  }
0x6f: {  	[tilespmem:s4], [sflag:$0x1] =	stream.linear.gather [hbm4b:s19+s4], $0x80, $0x38;
	[tilespmem:$0x1C380] =	vst v63  }
0x70: {  	s18 =	sadd.s32 s6, s18  }
0x71: {  	[tilespmem:s23], [sflag:$0x1] =	stream.linear.gather [hbm4b:s18+s4], $0x80, $0x38;
	[tilespmem:$0x1C380] =	vst v63  }
0x72: {  	_ =	swait.ge [sflag:s2], $0x4000  }
0x73: {  	[sflag:s2] =	ssyncset.done $0x0  }
0x74: {  	[sflag:s2] =	ssyncadd.s32 $0xFFFFC000  }
0x75: {  	_ =	swait.ge [sflag:s26], $0x80  }
0x76: {  	[sflag:s26] =	ssyncset.done $0x0  }
0x77: {  	[sflag:s26] =	ssyncadd.s32 $0xFFFFFF80  }
0x78: {  	_ =	swait.ge [sflag:s26], $0x80  }
0x79: {  	[sflag:s26] =	ssyncset.done $0x0  }
0x7a: {  	[sflag:s26] =	ssyncadd.s32 $0xFFFFFF80  }
0x7b: {  	[tilespmem:s28], [sflag:$0x3] =	stream.indirect.gather [hbm4b:s1+s24], $0x80, s4, s24, $0xb8;
	[tilespmem:$0x1C380] =	vst v63  }
0x7c: {  	_ = 	snop  }
0x7d: {  	[spmem:s3] =	stream.indirect.scatter.add.f32 [tilespmem:s31], [sflag:$0x5], $0x80, s25, s24, $0xb8;
	[tilespmem:$0x1C380] =	vst v63  }
.Ltmp0:
0x7e: {  	_ =	swait.ge [sflag:s0], $0x4000;
	(pc) =	sbr.rel @p1 .LBB2_2-.Ltmp0, $4  }
0x7f: {  	[sflag:s0] =	ssyncset.done $0x0  }
0x80: {  	s18 =	sadd.s32 s17, s21;
	[sflag:s0] =	ssyncadd.s32 $0xFFFFC000  }
0x81: {  	[tilespmem:s24], [sflag:$0x2] =	stream.linear.gather [hbm4b:s18+s4], $0x80, $0x38;
	[tilespmem:$0x1C380] =	vst v63  }
0x82: {  	s16 =	sadd.s32 $0x100, s16;
	s17 =	sadd.s32 s17, s20  }
0x83: {  	[tilespmem:s25], [sflag:$0x2] =	stream.linear.gather [hbm4b:s17+s4], $0x80, $0x38;
	[tilespmem:$0x1C380] =	vst v63  }
0x84: {  	_ =	swait.ge [sflag:s29], $0x4000  }
0x85: {  	[sflag:s29] =	ssyncset.done $0x0  }
0x86: {  	[sflag:s29] =	ssyncadd.s32 $0xFFFFC000  }
0x87: {  	_ =	swait.ge [sflag:s30], $0x80  }
0x88: {  	[sflag:s30] =	ssyncset.done $0x0  }
0x89: {  	[sflag:s30] =	ssyncadd.s32 $0xFFFFFF80  }
0x8a: {  	_ =	swait.ge [sflag:s30], $0x80  }
0x8b: {  	[sflag:s30] =	ssyncset.done $0x0  }
0x8c: {  	[sflag:s30] =	ssyncadd.s32 $0xFFFFFF80  }
0x8d: {  	[tilespmem:s31], [sflag:$0x4] =	stream.indirect.gather [hbm4b:s1+s24], $0x80, s24, s24, $0xb8;
	[tilespmem:$0x1C380] =	vst v63  }
0x8e: {  	_ = 	snop  }
0x8f: {  	[spmem:s3] =	stream.indirect.scatter.add.f32 [tilespmem:s28], [sflag:$0x5], $0x80, s23, s24, $0xb8;
	[tilespmem:$0x1C380] =	vst v63  }
0x90: {  	_ =	swait.ge [sflag:s0], $0x4000  }
0x91: {  	[sflag:s0] =	ssyncset.done $0x0  }
0x92: {  	[sflag:s0] =	ssyncadd.s32 $0xFFFFC000  }
0x93: {  	_ =	swait.ge [sflag:s2], $0x4000  }
0x94: {  	[sflag:s2] =	ssyncset.done $0x0  }
0x95: {  	[sflag:s2] =	ssyncadd.s32 $0xFFFFC000  }
0x96: {  	[spmem:s3] =	stream.indirect.scatter.add.f32 [tilespmem:s31], [sflag:$0x5], $0x80, s25, s24, $0xb8;
	[tilespmem:$0x1C380] =	vst v63  }
0x97: {  	_ =	swait.ge [sflag:s0], $0x4000  }
0x98: {  	[sflag:s0] =	ssyncset.done $0x0  }
0x99: {  	s15 =	rddreg [dreg:$0xd];
	[sflag:s0] =	ssyncadd.s32 $0xFFFFC000  }
0x9a: {  	[tilespmem:s7], [sflag:$0x5] =	stream.linear.gather [hbm4b:s15+s4], $0x10, $0x38;
	[tilespmem:$0x1C380] =	vst v63  }
0x9b: {  	_ =	swait.ge [sflag:s0], $0x10  }
0x9c: {  	[sflag:s0] =	ssyncset.done $0x0  }
0x9d: {  	s18 =	rddreg [dreg:$0xe];
	[sflag:s0] =	ssyncadd.s32 $0xFFFFFFF0  }
0x9e: {  	[tilespmem:s8], [sflag:$0x5] =	stream.linear.gather [hbm4b:s18+s4], $0x10, $0x38;
	[tilespmem:$0x1C380] =	vst v63  }
0x9f: {  	_ =	swait.ge [sflag:s0], $0x10  }
0xa0: {  	[sflag:s0] =	ssyncset.done $0x0  }
0xa1: {  	[sflag:s0] =	ssyncadd.s32 $0xFFFFFFF0  }
0xa2: {  	[tilespmem:s10], [sflag:$0x5] =	stream.indirect.gather [hbm4b:s1+s9], $0x80, s7, s9, $0xb8;
	[tilespmem:$0x1C380] =	vst v63  }
0xa3: {  	_ =	swait.ge [sflag:s0], $0x800  }
0xa4: {  	[sflag:s0] =	ssyncset.done $0x0  }
0xa5: {  	[sflag:s0] =	ssyncadd.s32 $0xFFFFF800  }
0xa6: {  	[spmem:s3] =	stream.indirect.scatter.add.f32 [tilespmem:s10], [sflag:$0x5], $0x80, s8, s9, $0xb8;
	[tilespmem:$0x1C380] =	vst v63  }
0xa7: {  	_ =	swait.ge [sflag:s0], $0x800  }
0xa8: {  	[sflag:s0] =	ssyncset.done $0x0  }
0xa9: {  	[sflag:s0] =	ssyncadd.s32 $0xFFFFF800  }
0xaa: {  	[bflag:$0x0] =	sbarrier.arrive $0xFFFF  }
0xab: {  	s15 =	simm.s32 @p0 $0x1FC5;
	s16 =	rddreg [dreg:$0x10]  }
0xac: {  	[hbm:s16], [sflag:s15] =	dma.local @p0 [spmem:s12], $0x2800  }
0xad: {  	s12 =	simm.s32 @p0 $0x5  }
0xae: {  	_ =	swait.ge @p0 [sflag:s12], $0x2800  }
0xaf: {  	[sflag:s12] =	ssyncset.done @p0 $0x0  }
0xb0: {  	[sflag:s12] =	ssyncadd.s32 @p0 $0xFFFFD800;
	s12 =	rddreg [dreg:$0xf]  }
0xb1: {  	[hbm:s12], [sflag:s13] =	dma.local @!p0 [spmem:s14], $0x2700  }
0xb2: {  	s12 =	simm.s32 @!p0 $0x5  }
0xb3: {  	_ =	swait.ge @!p0 [sflag:s12], $0x2700  }
0xb4: {  	s11 =	sadd.s32 $0x1, s11;
	s19 =	rddreg [dreg:$0x11]  }
0xb5: {  	p1 =	sne.s32 s11, s19  }
.Ltmp1:
0xb6: {  	_ = 	snop;
	(pc) =	sbr.rel @p1 .LBB2_1-.Ltmp1, $3  }
0xb7: {  	_ =	sdelay $0x1  }
0xb8: {  	[sflag:s12] =	ssyncset.done @!p0 $0x0  }
0xb9: {  	[sflag:s12] =	ssyncadd.s32 @!p0 $0xFFFFD900  }
0xba: {  	_ =	sfence.sel $0x180000  }
0xbb: {  	[bflag:$0x0] =	sbarrier.arrive $0xFFFF  }
0xbc: {  	_ =	strace $0x90000047  }
0xbd: {  	s0 =	stileid.u32;
	[bflag:$0x2] =	sbarrier.arrive $0xFFFF  }
0xbe: {  	p0 =	sne.s32 s0, $0x0;
	s0 =	rddreg [dreg:$0x4]  }
0xbf: {  	s0 =	sadd.s32 @!p0 $0x100000, s0  }
0xc0: {  	[sflag:s0] =	ssyncadd.tile.s32 @!p0 $0x1;
	_ =	shalt  }
.Lfunc_end2:
_tile_overlayer_lowered:
.L_overlay_start_2:
0xc1: {  	(tag) =	ssettag $0x2  }
0xc2: {  	s0 =	rddreg [dreg:$0x0];
	s2 =	stileid.u32  }
0xc3: {  	s1 =	rddreg [dreg:$0x1];
	p0 =	sne.s32 s2, $0x0  }
0xc4: {  	s3 =	rddreg [dreg:$0x2];
	[bflag:$0x3] =	sbarrier.arrive $0xFFFF;
	s2 =	simm.s32 @!p0 $0x1C05  }
0xc5: {  	[timem:s3], [sflag:s2] =	dma.local @!p0 [hbm:s0], s1  }
0xc6: {  	s0 =	simm.s32 @!p0 $0x5  }
0xc7: {  	_ =	swait.ge @!p0 [sflag:s0], s1  }
0xc8: {  	s1 =	ssub.s32 @!p0 $0x0, s1;
	[sflag:s0] =	ssyncset.done @!p0 $0x0  }
0xc9: {  	[sflag:s0] =	ssyncadd.s32 @!p0 s1  }
0xca: {  	[bflag:$0x3] =	sbarrier.arrive $0xFFFF  }
0xcb: {  	_ =	shalt  }

// kernel: kernel.9.cloned.1.call-start
scs
__scs_entry_jumppad:
0x0: {  	(pc) =	sbr.rel $0x88, $3  }
0x1: {  	(tag) =	ssettag $0x0;
	lr =	simm.s32 $0x1  }
0x2: {  	[smem:$0x3F97] =	sst lr;
	_ =	strace $0xD0000000  }
0x3: {  	_ = 	snop  }
0x4: {  	_ = 	snop  }
0x5: {  	_ = 	snop  }
0x6: {  	_ = 	snop  }
0x7: {  	_ = 	snop  }
__scs_overlays_trampoline_lowered:
0x8: {  	[smem:$0x3FA6] =	sst s0  }
0x9: {  	[smem:$0x3FA7] =	sst s1  }
0xa: {  	[smem:$0x3FA8] =	sst s2  }
0xb: {  	[smem:$0x3FA9] =	sst s3  }
0xc: {  	[smem:$0x3FAA] =	sst s4  }
0xd: {  	[smem:$0x3FAB] =	sst s5  }
0xe: {  	[smem:$0x3FAC] =	sst s6  }
0xf: {  	[smem:$0x3FAD] =	sst s7  }
0x10: {  	[smem:$0x3FAE] =	sst s8  }
0x11: {  	[smem:$0x3FAF] =	sst s9;
	s0 =	simm.s32 @!p0 $0x0  }
0x12: {  	s1 =	sld [smem:$0x3F95];
	s0 =	simm.s32 @p0 $0x1  }
0x13: {  	[smem:$0x3FB0] =	sst s0;
	s0 =	simm.s32 @!p1 $0x0  }
0x14: {  	s2 =	sld [smem:$0x3F94];
	s0 =	simm.s32 @p1 $0x1  }
0x15: {  	[smem:$0x3FB1] =	sst s0;
	s0 =	simm.s32 @!p2 $0x0  }
0x16: {  	s3 =	sld [smem:$0x3FDB];
	s0 =	simm.s32 @p2 $0x1  }
0x17: {  	s4 =	simm.s32 $0x1BF5;
	[smem:$0x3FB3] =	sst s0  }
0x18: {  	s0 =	sld [smem:$0x3F96];
	_ =	swait.ge [sflag:s4], $0x0  }
0x19: {  	s7 =	sld [smem:$0x3F97]  }
0x1a: {  	s8 =	sadd.s32 $0xFFFFE003, lr  }
0x1b: {  	s9 =	sadd.s32 $0xFFFFFEF7, lr;
	s5 =	simm.s32 $0xFFFFFFFF;
	p2 =	slt.u32 s8, $0xFFFFF086  }
0x1c: {  	p1 =	slt.u32 s9, $0xF7A;
	s5 =	simm.s32 @!p2 $0x0  }
0x1d: {  	s5 =	simm.s32 @p1 $0x1;
	p0 =	seq.s32 s7, s2  }
0x1e: {  	s7 =	smul.u32 @!p0 $0xF7A, s2;
	p2 =	seq.s32 @!p0 s5, $0x0  }
0x1f: {  	s9 =	smul.u32 $0xF7A, s1;
	s8 =	simm.s32 @!p0 $0x1BF5;
	p2 =	por !p2, p0  }
0x20: {  	[sflag:s8] =	ssyncset.s32 @!p0 $0xFFFFF086;
	s6 =	sadd.s32 @!p0 s3, s7;
	s7 =	simm.s32 @!p0 $0x108  }
0x21: {  	s3 =	sadd.s32 s3, s9;
	s6 =	sadd.s32 @!p0 $0x88, s6;
	s7 =	simm.s32 @p2 $0x1082  }
0x22: {  	[simem:s7], [sflag:s8] =	dma.local @!p0 [hbm:s6], $0xF7A  }
0x23: {  	s9 =	sor.u32 $0xD0000000, s2;
	s6 =	simm.s32 $0x108;
	_ =	swait.ge @!p0 [sflag:s8], $0x0  }
0x24: {  	s3 =	sadd.s32 $0x88, s3;
	s6 =	simm.s32 @!p1 $0x1082;
	[sflag:s4] =	ssyncset.s32 $0xFFFFF086  }
0x25: {  	[simem:s6], [sflag:s4] =	dma.local [hbm:s3], $0xF7A  }
0x26: {  	[smem:$0x3F97] =	sst s1;
	(tag) =	ssettag s2;
	_ =	strace s9  }
0x27: {  	s1 =	sld [smem:$0x3FA7]  }
0x28: {  	s2 =	sld [smem:$0x3FA8]  }
0x29: {  	s4 =	sld [smem:$0x3FAA]  }
0x2a: {  	p0 =	seq.s32 s5, $0x0;
	s5 =	sld [smem:$0x3FAB]  }
0x2b: {  	s6 =	sld [smem:$0x3FAC]  }
0x2c: {  	s7 =	sld [smem:$0x3FAD]  }
0x2d: {  	s3 =	simm.s32 $0x108;
	s8 =	sld [smem:$0x3FAE]  }
0x2e: {  	s3 =	simm.s32 @!p0 $0x1082;
	s9 =	sld [smem:$0x3FAF]  }
0x2f: {  	lr =	sadd.s32 s0, s3;
	s0 =	sld [smem:$0x3FA6]  }
0x30: {  	s3 =	sld [smem:$0x3FA9]  }
0x31: {  	[smem:$0x3FB2] =	sst s10  }
0x32: {  	s10 =	sld [smem:$0x3FB0];
	_ =	sdelay $0x3  }
0x33: {  	p0 =	seq.s32 s10, $0x1;
	s10 =	sld [smem:$0x3FB2];
	_ =	sdelay $0x3  }
0x34: {  	[smem:$0x3FB2] =	sst s10  }
0x35: {  	s10 =	sld [smem:$0x3FB1];
	_ =	sdelay $0x3  }
0x36: {  	p1 =	seq.s32 s10, $0x1;
	s10 =	sld [smem:$0x3FB2];
	_ =	sdelay $0x3  }
0x37: {  	[smem:$0x3FB2] =	sst s10  }
0x38: {  	s10 =	sld [smem:$0x3FB3]  }
0x39: {  	_ = 	snop;
	(pc) =	sbr.ind lr, $3  }
0x3a: {  	_ = 	snop  }
0x3b: {  	_ = 	snop  }
0x3c: {  	p2 =	seq.s32 s10, $0x1;
	s10 =	sld [smem:$0x3FB2]  }
0x3d: {  	_ =	shalt  }
0x3e: {  	_ =	shalt  }
0x3f: {  	_ =	shalt  }
0x40: {  	_ =	shalt  }
0x41: {  	_ =	shalt  }
0x42: {  	_ =	shalt  }
0x43: {  	_ =	shalt  }
0x44: {  	_ =	shalt  }
0x45: {  	_ =	shalt  }
0x46: {  	_ =	shalt  }
0x47: {  	_ =	shalt  }
0x48: {  	_ =	shalt  }
0x49: {  	_ =	shalt  }
0x4a: {  	_ =	shalt  }
0x4b: {  	_ =	shalt  }
0x4c: {  	_ =	shalt  }
0x4d: {  	_ =	shalt  }
0x4e: {  	_ =	shalt  }
0x4f: {  	_ =	shalt  }
0x50: {  	_ =	shalt  }
0x51: {  	_ =	shalt  }
0x52: {  	_ =	shalt  }
0x53: {  	_ =	shalt  }
0x54: {  	_ =	shalt  }
0x55: {  	_ =	shalt  }
0x56: {  	_ =	shalt  }
0x57: {  	_ =	shalt  }
0x58: {  	_ =	shalt  }
0x59: {  	_ =	shalt  }
0x5a: {  	_ =	shalt  }
0x5b: {  	_ =	shalt  }
0x5c: {  	_ =	shalt  }
0x5d: {  	_ =	shalt  }
0x5e: {  	_ =	shalt  }
0x5f: {  	_ =	shalt  }
0x60: {  	_ =	shalt  }
0x61: {  	_ =	shalt  }
0x62: {  	_ =	shalt  }
0x63: {  	_ =	shalt  }
0x64: {  	_ =	shalt  }
0x65: {  	_ =	shalt  }
0x66: {  	_ =	shalt  }
0x67: {  	_ =	shalt  }
0x68: {  	_ =	shalt  }
0x69: {  	_ =	shalt  }
0x6a: {  	_ =	shalt  }
0x6b: {  	_ =	shalt  }
0x6c: {  	_ =	shalt  }
0x6d: {  	_ =	shalt  }
0x6e: {  	_ =	shalt  }
0x6f: {  	_ =	shalt  }
0x70: {  	_ =	shalt  }
0x71: {  	_ =	shalt  }
0x72: {  	_ =	shalt  }
0x73: {  	_ =	shalt  }
0x74: {  	_ =	shalt  }
0x75: {  	_ =	shalt  }
0x76: {  	_ =	shalt  }
0x77: {  	_ =	shalt  }
0x78: {  	_ =	shalt  }
0x79: {  	_ =	shalt  }
0x7a: {  	_ =	shalt  }
0x7b: {  	_ =	shalt  }
0x7c: {  	_ =	shalt  }
0x7d: {  	_ =	shalt  }
0x7e: {  	_ =	shalt  }
0x7f: {  	_ =	shalt  }
0x80: {  	_ =	shalt  }
0x81: {  	_ =	shalt  }
0x82: {  	_ =	shalt  }
0x83: {  	_ =	shalt  }
0x84: {  	_ =	shalt  }
0x85: {  	_ =	shalt  }
0x86: {  	_ =	shalt  }
0x87: {  	_ =	shalt  }
.Lfunc_end0:
.L_simem_size_0:
called_computation.1_lowered:
.L_overlay_start_0:
0x88: {  	s2 =	sld [smem:$0x3FD9]  }
0x89: {  	s3 =	sld [smem:$0x3FFE];
	_ =	sdelay $0x1  }
0x8a: {  	s1 =	srdreg.scid  }
0x8b: {  	s0 =	sand.u32 $0x1, s1  }
0x8c: {  	s17 =	sshll.u32 s0, $0xA;
	s2 =	sadd.s32 s3, s2  }
0x8d: {  	s2 =	sadd.s32 s2, s17  }
0x8e: {  	[smem:$0x3FBE] =	sst s2  }
0x8f: {  	_ = 	snop  }
0x90: {  	s2 =	sld [smem:$0x3FD0];
	(tm) =	ssettm $0x1  }
0x91: {  	s18 =	sld [smem:$0x3FFB];
	_ =	sdelay $0x3  }
0x92: {  	_ =	strace s18  }
0x93: {  	s3 =	sld [smem:$0x3FFC];
	_ =	sdelay $0x3  }
0x94: {  	_ =	strace s3  }
0x95: {  	s3 =	sld [smem:$0x3FFD];
	_ =	sdelay $0x3  }
0x96: {  	_ =	strace s3  }
0x97: {  	_ =	strace $0x8FFFFFFF  }
0x98: {  	s19 =	sld [smem:$0x3FDB];
	_ =	sdelay $0x1  }
0x99: {  	s4 =	simm.s32 $_scs_section_size  }
0x9a: {  	s5 =	simm.s32 $_size__tile_overlayer_lowered;
	s6 =	simm.s32 $_tile_overlayer_lowered  }
0x9b: {  	s22 =	simm.s32 $0x1BFF;
	s21 =	sshll.u32 s6, $0x1;
	s3 =	sadd.s32 s4, s19  }
0x9c: {  	s7 =	simm.s32 $0x0;
	s20 =	sshll.u32 s5, $0x1;
	s5 =	sadd.s32 s21, s3  }
0x9d: {  	[timem:s7], [sflag:s22] =	dma.local [hbm:s5], s20  }
0x9e: {  	_ =	swait.ge [sflag:s22], s20  }
0x9f: {  	s4 =	ssub.s32 $0x0, s20;
	[sflag:s22] =	ssyncset.done $0x0  }
0xa0: {  	[sflag:s22] =	ssyncadd.s32 s4;
	_ =	sdelay $0x1  }
0xa1: {  	s23 =	simm.s32 $0x1B8B  }
0xa2: {  	_ =	swait.ge [sflag:s23], $0x1  }
0xa3: {  	[sflag:s23] =	ssyncset.done $0x0  }
0xa4: {  	s25 =	simm.s32 $0x1B8E;
	s24 =	sld [smem:$0x3FFE];
	[sflag:s23] =	ssyncadd.s32 $0xFFFFFFFF  }
0xa5: {  	s26 =	simm.s32 $execute0_lowered;
	[smem:$0x3FD2] =	sst s25  }
0xa6: {  	s5 =	sshll.u32 s26, $0x1;
	_ =	strace $0x80000049;
	[dreg:$0x1] =	wrdreg $0xFFFFFFFF  }
0xa7: {  	s28 =	simm.s32 $_size_execute0_lowered;
	s3 =	sadd.s32 s3, s5;
	[dreg:$0x0] =	wrdreg $0x0  }
0xa8: {  	s5 =	sshll.u32 s28, $0x1;
	[dreg:$0x2] =	wrdreg s3  }
0xa9: {  	[dreg:$0x3] =	wrdreg s5  }
0xaa: {  	[dreg:$0x4] =	wrdreg $0xC0  }
0xab: {  	_ =	task [dreg:s7], $0x5FFFF  }
0xac: {  	[dreg:$0x1] =	wrdreg $0xFFFFFFFF  }
0xad: {  	[dreg:$0x0] =	wrdreg $0x60  }
0xae: {  	[dreg:$0x2] =	wrdreg s24  }
0xaf: {  	[dreg:$0x3] =	wrdreg s2  }
0xb0: {  	[dreg:$0x4] =	wrdreg $0x8B000  }
0xb1: {  	[dreg:$0x5] =	wrdreg $0x9  }
0xb2: {  	_ =	task.clear_ibuf [dreg:s7], $0x6FFFF;
	_ =	strace $0x90000049  }
0xb3: {  	s29 =	simm.s32 $0x9;
	_ =	strace $0x8000004B  }
0xb4: {  	_ =	swait.ge [sflag:s29], $0x1  }
0xb5: {  	[sflag:s29] =	ssyncadd.s32 $0xFFFFFFFF  }
0xb6: {  	_ =	strace $0x9000004B  }
0xb7: {  	_ =	sfence  }
0xb8: {  	s30 =	sld [smem:$0x0];
	_ =	sdelay $0x2  }
0xb9: {  	s31 =	sshll.u32 s1, $0xD;
	s1 =	sshrl.u32 s1, $0x2  }
0xba: {  	s3 =	sand.u32 $0x4000, s31;
	s1 =	sadd.s32 s1, s30  }
0xbb: {  	s0 =	sor.u32 s3, s0;
	s1 =	sshll.u32 s1, $0x11  }
0xbc: {  	s0 =	sor.u32 s1, s0  }
0xbd: {  	s0 =	sadd.s32 $0x8F2B, s0  }
0xbe: {  	[sflag:s0] =	ssyncadd.remote.s32 $0x1  }
0xbf: {  	_ =	sfence.sel $0xFFFF  }
0xc0: {  	[dreg:$0x0] =	wrdreg $0xFFFFFFFF;
	(pc) =	sbr.abs _section_cstart, $3  }
0xc1: {  	[dreg:$0x1] =	wrdreg $0xFFFFFFFF  }
0xc2: {  	_ =	task.clear_ibuf [dreg:s7], $0x2FFFF;
	_ =	strace $0x9FFFFFFF  }
0xc3: {  	(tm) =	ssettm $0x7FFFFFFF  }
tec
execute0_lowered:
.L_overlay_start_1:
0x0: {  	(tag) =	ssettag $0x1  }
0x1: {  	s0 =	rddreg [dreg:$0x0]  }
0x2: {  	s1 =	rddreg [dreg:$0x1]  }
0x3: {  	s2 =	rddreg [dreg:$0x2]  }
0x4: {  	s3 =	simm.s32 $0x0;
	s4 =	srdreg.scid;
	s15 =	stileid.u32  }
0x5: {  	s28 =	simm.s32 $0x200;
	s29 =	simm.s32 $0x3;
	s30 =	simm.s32 $0x2  }
0x6: {  	s31 =	simm.s32 $0x4200;
	[smem:$0x7FF] =	sst s3;
	s11 =	smul.u32 $0x4E000, s15  }
0x7: {  	s7 =	sand.u32 $0x1, s4;
	s24 =	sshll.u32 s15, $0x1;
	s26 =	smul.u32 $0x2700, s15  }
0x8: {  	s4 =	sadd.s32 $0x15C00, s0;
	s5 =	sadd.s32 $0xBE00, s0;
	s17 =	smul.u32 $0x13800, s15  }
0x9: {  	s18 =	smul.u32 $0x4E20, s15;
	s19 =	sadd.s32 $0x124800, s2;
	p0 =	seq.s32 s15, $0xF  }
0xa: {  	_ =	strace $0x8000004A;
	s6 =	sor.u32 s7, s24;
	s13 =	smul.u32 $0x138800, s7  }
0xb: {  	s9 =	ssub.s32 $0x2, s7;
	s7 =	smul.u32 $0x2710, s7;
	[dreg:$0xa] =	wrdreg s19  }
0xc: {  	s8 =	smul.u32 $0x2710, s6;
	s6 =	sadd.s32 $0x2000, s0;
	s10 =	sshrl.u32 s9, $0x1  }
0xd: {  	s0 =	sadd.s32 $0x3CE00, s0;
	s11 =	sshrl.u32 s11, $0x2;
	s9 =	ssub.s32 s9, s10  }
0xe: {  	s11 =	sadd.s32 s11, s2;
	s10 =	sadd.s32 s1, s26;
	s1 =	sadd.s32 $0x24900, s1  }
0xf: {  	s22 =	sadd.s32 s17, s13;
	s7 =	sadd.s32 s7, s18;
	[dreg:$0x8] =	wrdreg s11  }
0x10: {  	s23 =	sshrl.u32 s13, $0x3;
	s8 =	sshrl.u32 s8, $0x3;
	[dreg:$0x9] =	wrdreg s10  }
0x11: {  	[dreg:$0xb] =	wrdreg s1;
	s1 =	sshrl.u32 s22, $0x3;
	s24 =	sadd.s32 $0x180, s7  }
0x12: {  	s26 =	smax.u32 s9, $0x1;
	s22 =	sadd.s32 $0x100, s7;
	s7 =	simm.s32 $0x8200  }
0x13: {  	s9 =	simm.s32 $0x10;
	s10 =	simm.s32 $0x8300;
	s11 =	simm.s32 $0x0  }
0x14: {  	s25 =	sadd.s32 s5, s8;
	s12 =	sadd.s32 s6, s8;
	[dreg:$0x10] =	wrdreg s26  }
0x15: {  	s16 =	sadd.s32 $0x10, s8;
	s8 =	sadd.s32 $0x4E0, s8;
	[dreg:$0x4] =	wrdreg s25  }
0x16: {  	s1 =	sadd.s32 s0, s1;
	s0 =	sadd.s32 s0, s23;
	[dreg:$0x5] =	wrdreg s12  }
0x17: {  	s23 =	simm.s32 $0x100;
	s14 =	sadd.s32 s5, s16;
	[dreg:$0xe] =	wrdreg s1  }
0x18: {  	s26 =	simm.s32 $0x1;
	s12 =	sadd.s32 s6, s16;
	[dreg:$0x6] =	wrdreg s14  }
0x19: {  	s20 =	sadd.s32 s5, s8;
	s21 =	sadd.s32 s6, s8;
	[dreg:$0x7] =	wrdreg s12  }
0x1a: {  	s25 =	sshrl.u32 s24, $0x3;
	s0 =	sadd.s32 $0x24900, s0;
	[dreg:$0xc] =	wrdreg s20  }
0x1b: {  	s24 =	simm.s32 $0x80;
	s1 =	simm.s32 $0x4;
	[dreg:$0xd] =	wrdreg s21  }
0x1c: {  	s8 =	simm.s32 $0x8280;
	[dreg:$0xf] =	wrdreg s0;
	s20 =	sadd.s32 s25, s6  }
0x1d: {  	s21 =	sadd.s32 s25, s5;
	s25 =	simm.s32 $0x180;
	s0 =	simm.s32 $0x5  }
.LBB2_1:
0x1e: {  	s12 =	rddreg [dreg:$0x4]  }
0x1f: {  	s15 =	rddreg [dreg:$0x5]  }
0x20: {  	s16 =	rddreg [dreg:$0x6]  }
0x21: {  	[tilespmem:s3], [sflag:$0x1] =	stream.linear.gather [hbm4b:s12+s3], $0x80, $0x38;
	[tilespmem:$0x1C380] =	vst v63  }
0x22: {  	s17 =	rddreg [dreg:$0x7]  }
0x23: {  	[tilespmem:s23], [sflag:$0x1] =	stream.linear.gather [hbm4b:s15+s3], $0x80, $0x38;
	[tilespmem:$0x1C380] =	vst v63  }
0x24: {  	s12 =	rddreg [dreg:$0xa]  }
0x25: {  	[tilespmem:s24], [sflag:$0x2] =	stream.linear.gather [hbm4b:s16+s3], $0x80, $0x38;
	[tilespmem:$0x1C380] =	vst v63  }
0x26: {  	s13 =	simm.s32 @p0 $0x1FC5;
	s14 =	rddreg [dreg:$0xb];
	s12 =	sshrl.u32 @p0 s12, $0x3  }
0x27: {  	[tilespmem:s25], [sflag:$0x2] =	stream.linear.gather [hbm4b:s17+s3], $0x80, $0x38;
	[tilespmem:$0x1C380] =	vst v63  }
0x28: {  	[spmem:s12], [sflag:s13] =	dma.local @p0 [hbm:s14], $0x2800  }
0x29: {  	s13 =	simm.s32 @p0 $0x5  }
0x2a: {  	s14 =	stileid.u32;
	_ =	swait.ge @p0 [sflag:s13], $0x2800  }
0x2b: {  	s14 =	sshll.u32 @!p0 s14, $0x6;
	[sflag:s13] =	ssyncset.done @p0 $0x0  }
0x2c: {  	[sflag:s13] =	ssyncadd.s32 @p0 $0xFFFFD800;
	s13 =	sor.u32 @!p0 $0x1C05, s14;
	s14 =	rddreg [dreg:$0x8]  }
0x2d: {  	s15 =	rddreg [dreg:$0x9];
	s14 =	sshrl.u32 @!p0 s14, $0x3  }
0x2e: {  	[spmem:s14], [sflag:s13] =	dma.local @!p0 [hbm:s15], $0x2700  }
0x2f: {  	s15 =	simm.s32 @!p0 $0x5  }
0x30: {  	_ =	swait.ge @!p0 [sflag:s15], $0x2700  }
0x31: {  	[sflag:s15] =	ssyncset.done @!p0 $0x0  }
0x32: {  	[sflag:s15] =	ssyncadd.s32 @!p0 $0xFFFFD900  }
0x33: {  	[bflag:$0x0] =	sbarrier.arrive $0xFFFF  }
0x34: {  	_ =	swait.ge [sflag:s26], $0x80  }
0x35: {  	[sflag:s26] =	ssyncset.done $0x0  }
0x36: {  	[sflag:s26] =	ssyncadd.s32 $0xFFFFFF80  }
0x37: {  	_ =	swait.ge [sflag:s26], $0x80  }
0x38: {  	[sflag:s26] =	ssyncset.done $0x0  }
0x39: {  	[sflag:s26] =	ssyncadd.s32 $0xFFFFFF80  }
0x3a: {  	[tilespmem:s28], [sflag:$0x3] =	stream.indirect.gather [hbm4b:s4+s24], $0x80, s3, s24, $0xb8;
	[tilespmem:$0x1C380] =	vst v63  }
0x3b: {  	_ =	swait.ge [sflag:s29], $0x4000  }
0x3c: {  	[sflag:s29] =	ssyncset.done $0x0  }
0x3d: {  	[sflag:s29] =	ssyncadd.s32 $0xFFFFC000  }
0x3e: {  	_ =	swait.ge [sflag:s30], $0x80  }
0x3f: {  	[sflag:s30] =	ssyncset.done $0x0  }
0x40: {  	[sflag:s30] =	ssyncadd.s32 $0xFFFFFF80  }
0x41: {  	_ =	swait.ge [sflag:s30], $0x80  }
0x42: {  	[sflag:s30] =	ssyncset.done $0x0  }
0x43: {  	[sflag:s30] =	ssyncadd.s32 $0xFFFFFF80  }
0x44: {  	[tilespmem:s31], [sflag:$0x4] =	stream.indirect.gather [hbm4b:s4+s24], $0x80, s24, s24, $0xb8;
	[tilespmem:$0x1C380] =	vst v63  }
0x45: {  	_ = 	snop  }
0x46: {  	[spmem:s2] =	stream.indirect.scatter.add.f32 [tilespmem:s28], [sflag:$0x5], $0x80, s23, s24, $0xb8;
	[tilespmem:$0x1C380] =	vst v63  }
0x47: {  	_ =	swait.ge [sflag:s0], $0x4000  }
0x48: {  	s18 =	sshrl.u32 s22, $0x3;
	[sflag:s0] =	ssyncset.done $0x0  }
0x49: {  	s16 =	sadd.s32 s5, s18;
	[sflag:s0] =	ssyncadd.s32 $0xFFFFC000  }
0x4a: {  	[tilespmem:s3], [sflag:$0x1] =	stream.linear.gather [hbm4b:s16+s3], $0x80, $0x38;
	[tilespmem:$0x1C380] =	vst v63  }
0x4b: {  	s15 =	sadd.s32 s6, s18  }
0x4c: {  	[tilespmem:s23], [sflag:$0x1] =	stream.linear.gather [hbm4b:s15+s3], $0x80, $0x38;
	[tilespmem:$0x1C380] =	vst v63  }
0x4d: {  	_ =	swait.ge [sflag:s1], $0x4000  }
0x4e: {  	[sflag:s1] =	ssyncset.done $0x0  }
0x4f: {  	[sflag:s1] =	ssyncadd.s32 $0xFFFFC000  }
0x50: {  	_ =	swait.ge [sflag:s26], $0x80  }
0x51: {  	[sflag:s26] =	ssyncset.done $0x0  }
0x52: {  	[sflag:s26] =	ssyncadd.s32 $0xFFFFFF80  }
0x53: {  	_ =	swait.ge [sflag:s26], $0x80  }
0x54: {  	[sflag:s26] =	ssyncset.done $0x0  }
0x55: {  	[sflag:s26] =	ssyncadd.s32 $0xFFFFFF80  }
0x56: {  	[tilespmem:s28], [sflag:$0x3] =	stream.indirect.gather [hbm4b:s4+s24], $0x80, s3, s24, $0xb8;
	[tilespmem:$0x1C380] =	vst v63  }
0x57: {  	_ = 	snop  }
0x58: {  	[spmem:s2] =	stream.indirect.scatter.add.f32 [tilespmem:s31], [sflag:$0x5], $0x80, s25, s24, $0xb8;
	[tilespmem:$0x1C380] =	vst v63  }
0x59: {  	_ =	swait.ge [sflag:s0], $0x4000  }
0x5a: {  	s19 =	sadd.s32 $0x0, s21;
	s17 =	sadd.s32 $0x0, s20;
	[sflag:s0] =	ssyncset.done $0x0  }
0x5b: {  	s16 =	sadd.s32 $0x100, s22;
	s15 =	simm.s32 $0x20;
	[sflag:s0] =	ssyncadd.s32 $0xFFFFC000  }
0x5c: {  	[tilespmem:s24], [sflag:$0x2] =	stream.linear.gather [hbm4b:s19+s3], $0x80, $0x38;
	[tilespmem:$0x1C380] =	vst v63  }
.LBB2_2:
0x5d: {  	[tilespmem:s25], [sflag:$0x2] =	stream.linear.gather [hbm4b:s17+s3], $0x80, $0x38;
	[tilespmem:$0x1C380] =	vst v63  }
0x5e: {  	s17 =	smov.u32 s15  }
0x5f: {  	p1 =	sne.s32 s15, $0x4A0;
	s15 =	sadd.s32 $0x20, s15;
	_ =	swait.ge [sflag:s29], $0x4000  }
0x60: {  	[sflag:s29] =	ssyncset.done $0x0  }
0x61: {  	[sflag:s29] =	ssyncadd.s32 $0xFFFFC000  }
0x62: {  	_ =	swait.ge [sflag:s30], $0x80  }
0x63: {  	[sflag:s30] =	ssyncset.done $0x0  }
0x64: {  	[sflag:s30] =	ssyncadd.s32 $0xFFFFFF80  }
0x65: {  	_ =	swait.ge [sflag:s30], $0x80  }
0x66: {  	[sflag:s30] =	ssyncset.done $0x0  }
0x67: {  	[sflag:s30] =	ssyncadd.s32 $0xFFFFFF80  }
0x68: {  	[tilespmem:s31], [sflag:$0x4] =	stream.indirect.gather [hbm4b:s4+s24], $0x80, s24, s24, $0xb8;
	[tilespmem:$0x1C380] =	vst v63  }
0x69: {  	_ = 	snop  }
0x6a: {  	[spmem:s2] =	stream.indirect.scatter.add.f32 [tilespmem:s28], [sflag:$0x5], $0x80, s23, s24, $0xb8;
	[tilespmem:$0x1C380] =	vst v63  }
0x6b: {  	_ =	swait.ge [sflag:s0], $0x4000  }
0x6c: {  	s18 =	sshrl.u32 s16, $0x3;
	[sflag:s0] =	ssyncset.done $0x0  }
0x6d: {  	s19 =	sadd.s32 s5, s18;
	[sflag:s0] =	ssyncadd.s32 $0xFFFFC000  }
0x6e: {  	[tilespmem:s3], [sflag:$0x1] =	stream.linear.gather [hbm4b:s19+s3], $0x80, $0x38;
	[tilespmem:$0x1C380] =	vst v63  }
0x6f: {  	s18 =	sadd.s32 s6, s18  }
0x70: {  	[tilespmem:s23], [sflag:$0x1] =	stream.linear.gather [hbm4b:s18+s3], $0x80, $0x38;
	[tilespmem:$0x1C380] =	vst v63  }
0x71: {  	_ =	swait.ge [sflag:s1], $0x4000  }
0x72: {  	[sflag:s1] =	ssyncset.done $0x0  }
0x73: {  	[sflag:s1] =	ssyncadd.s32 $0xFFFFC000  }
0x74: {  	_ =	swait.ge [sflag:s26], $0x80  }
0x75: {  	[sflag:s26] =	ssyncset.done $0x0  }
0x76: {  	[sflag:s26] =	ssyncadd.s32 $0xFFFFFF80  }
0x77: {  	_ =	swait.ge [sflag:s26], $0x80  }
0x78: {  	[sflag:s26] =	ssyncset.done $0x0  }
0x79: {  	[sflag:s26] =	ssyncadd.s32 $0xFFFFFF80  }
0x7a: {  	[tilespmem:s28], [sflag:$0x3] =	stream.indirect.gather [hbm4b:s4+s24], $0x80, s3, s24, $0xb8;
	[tilespmem:$0x1C380] =	vst v63  }
0x7b: {  	_ = 	snop  }
0x7c: {  	[spmem:s2] =	stream.indirect.scatter.add.f32 [tilespmem:s31], [sflag:$0x5], $0x80, s25, s24, $0xb8;
	[tilespmem:$0x1C380] =	vst v63  }
.Ltmp0:
0x7d: {  	_ =	swait.ge [sflag:s0], $0x4000;
	(pc) =	sbr.rel @p1 .LBB2_2-.Ltmp0, $4  }
0x7e: {  	[sflag:s0] =	ssyncset.done $0x0  }
0x7f: {  	s18 =	sadd.s32 s17, s21;
	[sflag:s0] =	ssyncadd.s32 $0xFFFFC000  }
0x80: {  	[tilespmem:s24], [sflag:$0x2] =	stream.linear.gather [hbm4b:s18+s3], $0x80, $0x38;
	[tilespmem:$0x1C380] =	vst v63  }
0x81: {  	s16 =	sadd.s32 $0x100, s16;
	s17 =	sadd.s32 s17, s20  }
0x82: {  	[tilespmem:s25], [sflag:$0x2] =	stream.linear.gather [hbm4b:s17+s3], $0x80, $0x38;
	[tilespmem:$0x1C380] =	vst v63  }
0x83: {  	_ =	swait.ge [sflag:s29], $0x4000  }
0x84: {  	[sflag:s29] =	ssyncset.done $0x0  }
0x85: {  	[sflag:s29] =	ssyncadd.s32 $0xFFFFC000  }
0x86: {  	_ =	swait.ge [sflag:s30], $0x80  }
0x87: {  	[sflag:s30] =	ssyncset.done $0x0  }
0x88: {  	[sflag:s30] =	ssyncadd.s32 $0xFFFFFF80  }
0x89: {  	_ =	swait.ge [sflag:s30], $0x80  }
0x8a: {  	[sflag:s30] =	ssyncset.done $0x0  }
0x8b: {  	[sflag:s30] =	ssyncadd.s32 $0xFFFFFF80  }
0x8c: {  	[tilespmem:s31], [sflag:$0x4] =	stream.indirect.gather [hbm4b:s4+s24], $0x80, s24, s24, $0xb8;
	[tilespmem:$0x1C380] =	vst v63  }
0x8d: {  	_ = 	snop  }
0x8e: {  	[spmem:s2] =	stream.indirect.scatter.add.f32 [tilespmem:s28], [sflag:$0x5], $0x80, s23, s24, $0xb8;
	[tilespmem:$0x1C380] =	vst v63  }
0x8f: {  	_ =	swait.ge [sflag:s0], $0x4000  }
0x90: {  	[sflag:s0] =	ssyncset.done $0x0  }
0x91: {  	[sflag:s0] =	ssyncadd.s32 $0xFFFFC000  }
0x92: {  	_ =	swait.ge [sflag:s1], $0x4000  }
0x93: {  	[sflag:s1] =	ssyncset.done $0x0  }
0x94: {  	[sflag:s1] =	ssyncadd.s32 $0xFFFFC000  }
0x95: {  	[spmem:s2] =	stream.indirect.scatter.add.f32 [tilespmem:s31], [sflag:$0x5], $0x80, s25, s24, $0xb8;
	[tilespmem:$0x1C380] =	vst v63  }
0x96: {  	_ =	swait.ge [sflag:s0], $0x4000  }
0x97: {  	[sflag:s0] =	ssyncset.done $0x0  }
0x98: {  	s15 =	rddreg [dreg:$0xc];
	[sflag:s0] =	ssyncadd.s32 $0xFFFFC000  }
0x99: {  	[tilespmem:s7], [sflag:$0x5] =	stream.linear.gather [hbm4b:s15+s3], $0x10, $0x38;
	[tilespmem:$0x1C380] =	vst v63  }
0x9a: {  	_ =	swait.ge [sflag:s0], $0x10  }
0x9b: {  	[sflag:s0] =	ssyncset.done $0x0  }
0x9c: {  	s18 =	rddreg [dreg:$0xd];
	[sflag:s0] =	ssyncadd.s32 $0xFFFFFFF0  }
0x9d: {  	[tilespmem:s8], [sflag:$0x5] =	stream.linear.gather [hbm4b:s18+s3], $0x10, $0x38;
	[tilespmem:$0x1C380] =	vst v63  }
0x9e: {  	_ =	swait.ge [sflag:s0], $0x10  }
0x9f: {  	[sflag:s0] =	ssyncset.done $0x0  }
0xa0: {  	[sflag:s0] =	ssyncadd.s32 $0xFFFFFFF0  }
0xa1: {  	[tilespmem:s10], [sflag:$0x5] =	stream.indirect.gather [hbm4b:s4+s9], $0x80, s7, s9, $0xb8;
	[tilespmem:$0x1C380] =	vst v63  }
0xa2: {  	_ =	swait.ge [sflag:s0], $0x800  }
0xa3: {  	[sflag:s0] =	ssyncset.done $0x0  }
0xa4: {  	[sflag:s0] =	ssyncadd.s32 $0xFFFFF800  }
0xa5: {  	[spmem:s2] =	stream.indirect.scatter.add.f32 [tilespmem:s10], [sflag:$0x5], $0x80, s8, s9, $0xb8;
	[tilespmem:$0x1C380] =	vst v63  }
0xa6: {  	_ =	swait.ge [sflag:s0], $0x800  }
0xa7: {  	[sflag:s0] =	ssyncset.done $0x0  }
0xa8: {  	[sflag:s0] =	ssyncadd.s32 $0xFFFFF800  }
0xa9: {  	[bflag:$0x0] =	sbarrier.arrive $0xFFFF  }
0xaa: {  	s15 =	simm.s32 @p0 $0x1FC5;
	s16 =	rddreg [dreg:$0xf]  }
0xab: {  	[hbm:s16], [sflag:s15] =	dma.local @p0 [spmem:s12], $0x2800  }
0xac: {  	s12 =	simm.s32 @p0 $0x5  }
0xad: {  	_ =	swait.ge @p0 [sflag:s12], $0x2800  }
0xae: {  	[sflag:s12] =	ssyncset.done @p0 $0x0  }
0xaf: {  	[sflag:s12] =	ssyncadd.s32 @p0 $0xFFFFD800;
	s12 =	rddreg [dreg:$0xe]  }
0xb0: {  	[hbm:s12], [sflag:s13] =	dma.local @!p0 [spmem:s14], $0x2700  }
0xb1: {  	s12 =	simm.s32 @!p0 $0x5  }
0xb2: {  	_ =	swait.ge @!p0 [sflag:s12], $0x2700  }
0xb3: {  	s11 =	sadd.s32 $0x1, s11;
	s19 =	rddreg [dreg:$0x10]  }
0xb4: {  	p1 =	sne.s32 s11, s19  }
.Ltmp1:
0xb5: {  	_ = 	snop;
	(pc) =	sbr.rel @p1 .LBB2_1-.Ltmp1, $3  }
0xb6: {  	_ =	sdelay $0x1  }
0xb7: {  	[sflag:s12] =	ssyncset.done @!p0 $0x0  }
0xb8: {  	[sflag:s12] =	ssyncadd.s32 @!p0 $0xFFFFD900  }
0xb9: {  	_ =	sfence.sel $0x180000  }
0xba: {  	[bflag:$0x0] =	sbarrier.arrive $0xFFFF  }
0xbb: {  	_ =	strace $0x9000004A  }
0xbc: {  	s0 =	stileid.u32;
	[bflag:$0x2] =	sbarrier.arrive $0xFFFF  }
0xbd: {  	p0 =	sne.s32 s0, $0x0;
	s0 =	rddreg [dreg:$0x3]  }
0xbe: {  	s0 =	sadd.s32 @!p0 $0x100000, s0  }
0xbf: {  	[sflag:s0] =	ssyncadd.tile.s32 @!p0 $0x1;
	_ =	shalt  }
.Lfunc_end2:
_tile_overlayer_lowered:
.L_overlay_start_2:
0xc0: {  	(tag) =	ssettag $0x2  }
0xc1: {  	s0 =	rddreg [dreg:$0x0];
	s2 =	stileid.u32  }
0xc2: {  	s1 =	rddreg [dreg:$0x1];
	p0 =	sne.s32 s2, $0x0  }
0xc3: {  	s3 =	rddreg [dreg:$0x2];
	[bflag:$0x3] =	sbarrier.arrive $0xFFFF;
	s2 =	simm.s32 @!p0 $0x1C05  }
0xc4: {  	[timem:s3], [sflag:s2] =	dma.local @!p0 [hbm:s0], s1  }
0xc5: {  	s0 =	simm.s32 @!p0 $0x5  }
0xc6: {  	_ =	swait.ge @!p0 [sflag:s0], s1  }
0xc7: {  	s1 =	ssub.s32 @!p0 $0x0, s1;
	[sflag:s0] =	ssyncset.done @!p0 $0x0  }
0xc8: {  	[sflag:s0] =	ssyncadd.s32 @!p0 s1  }
0xc9: {  	[bflag:$0x3] =	sbarrier.arrive $0xFFFF  }
0xca: {  	_ =	shalt  }

</sc_bundles>
